<compile_context>
chip_gen: v7x
topology: tpu7x:2x2x1
jax: 0.10.2.dev20260603
libtpu: 0.0.44.dev20260713+nightly
codegen_flags: <defaults>
</compile_context>

<pallas_src>
import functools

import jax
import jax.numpy as jnp
from jax import lax
from jax.experimental import pallas as pl
from jax.experimental.pallas import tpu as pltpu
from jax.experimental.pallas import tpu_sc as plsc

NC, NS, LANES = 2, 16, 16
NW = NC * NS

N = 10000
E = 320000
NFEAT = 128
NHID = 128
NCLASS = 16

EPW = E // NW
K = 80
NCH = EPW // K
N_PAD = 10240
ROWS_T = N_PAD // NS

@functools.cache
def _mesh():
    return plsc.VectorSubcoreMesh(core_axis_name="c", subcore_axis_name="s",
                                  num_cores=NC, num_subcores=NS)


def _degree_body(src_hbm, dst_hbm, zi_hbm, out_hbm, src_v, dst_v, h_v):
    c = lax.axis_index("c")
    s = lax.axis_index("s")

    pltpu.sync_copy(src_hbm.at[c, s], src_v)
    pltpu.sync_copy(dst_hbm.at[c, s], dst_v)
    pltpu.sync_copy(zi_hbm, h_v)

    ones = jnp.ones((LANES,), jnp.int32)

    def body(i, carry):
        si = src_v[pl.ds(i * LANES, LANES)]
        plsc.addupdate_scatter(h_v, [si * 2], ones)
        di = dst_v[pl.ds(i * LANES, LANES)]
        plsc.addupdate_scatter(h_v, [di * 2 + 1], ones)
        return carry

    lax.fori_loop(0, EPW // LANES, body, 0)

    pltpu.sync_copy(h_v, out_hbm.at[c, s])


@functools.cache
def _degree_call():
    return pl.kernel(
        _degree_body,
        out_type=jax.ShapeDtypeStruct((NC, NS, 2 * N), jnp.int32),
        mesh=_mesh(),
        compiler_params=pltpu.CompilerParams(needs_layout_passes=False),
        scratch_types=[
            pltpu.VMEM((EPW,), jnp.int32),
            pltpu.VMEM((EPW,), jnp.int32),
            pltpu.VMEM((2 * N,), jnp.int32),
        ],
    )


def _agg_body(d, table_hbm, src_hbm, dst_hbm, z_hbm, out_hbm,
              src_v, dst_v, rows0_v, rows1_v, sem0, sem1, acc_sh):
    c = lax.axis_index("c")
    s = lax.axis_index("s")

    pltpu.sync_copy(z_hbm, acc_sh.at[pl.ds(s * ROWS_T, ROWS_T)])
    pltpu.sync_copy(src_hbm.at[c, s], src_v)
    pltpu.sync_copy(dst_hbm.at[c, s], dst_v)
    plsc.subcore_barrier()

    def gather(chunk, rows, sem):
        pltpu.async_copy(table_hbm.at[src_v.at[pl.ds(chunk * K, K)]],
                         rows, sem)

    gather(0, rows0_v, sem0)

    def body(jj, carry):
        c0 = 2 * jj
        gather(c0 + 1, rows1_v, sem1)
        pltpu.make_async_copy(table_hbm.at[src_v.at[pl.ds(0, K)]],
                              rows0_v, sem0).wait()
        pltpu.sync_copy(rows0_v, acc_sh.at[dst_v.at[c0]], add=True)
        gather(c0 + 2, rows0_v, sem0)
        pltpu.make_async_copy(table_hbm.at[src_v.at[pl.ds(0, K)]],
                              rows1_v, sem1).wait()
        pltpu.sync_copy(rows1_v, acc_sh.at[dst_v.at[c0 + 1]], add=True)
        return carry

    lax.fori_loop(0, (NCH - 1) // 2, body, 0)
    pltpu.make_async_copy(table_hbm.at[src_v.at[pl.ds(0, K)]],
                          rows0_v, sem0).wait()
    pltpu.sync_copy(rows0_v, acc_sh.at[dst_v.at[NCH - 1]], add=True)

    plsc.subcore_barrier()
    pltpu.sync_copy(acc_sh.at[pl.ds(s * ROWS_T, ROWS_T)],
                    out_hbm.at[c, pl.ds(s * ROWS_T, ROWS_T)])


@functools.cache
def _make_agg(d):
    return pl.kernel(
        functools.partial(_agg_body, d),
        out_type=jax.ShapeDtypeStruct((NC, N_PAD, d), jnp.float32),
        mesh=_mesh(),
        compiler_params=pltpu.CompilerParams(
            use_tc_tiling_on_sc=(d % 128 == 0)),
        scratch_types=[
            pltpu.VMEM((EPW,), jnp.int32),
            pltpu.VMEM((NCH, K), jnp.int32),
            pltpu.VMEM((K, d), jnp.float32),
            pltpu.VMEM((K, d), jnp.float32),
            pltpu.SemaphoreType.DMA,
            pltpu.SemaphoreType.DMA,
            pltpu.VMEM_SHARED((N_PAD, d), jnp.float32),
        ],
    )




_RB = 1000


def _support1_body(x_ref, w_ref, hist_ref, o_ref, deg_ref):
    d = jnp.sum(hist_ref[...], axis=0)
    deg_ref[...] = d
    a = lax.rsqrt(jnp.maximum(d[:, 0:1].astype(jnp.float32), 1.0))
    o_ref[...] = jnp.dot(x_ref[...], w_ref[...],
                         preferred_element_type=jnp.float32) * a


def _support1_call(x, w1, hist):
    return pl.pallas_call(
        _support1_body,
        grid=(N // _RB,),
        in_specs=[
            pl.BlockSpec((_RB, NFEAT), lambda i: (i, 0)),
            pl.BlockSpec((NFEAT, NHID), lambda i: (0, 0)),
            pl.BlockSpec((NW, _RB, 2), lambda i: (0, i, 0)),
        ],
        out_specs=[
            pl.BlockSpec((_RB, NHID), lambda i: (i, 0)),
            pl.BlockSpec((_RB, 2), lambda i: (i, 0)),
        ],
        out_shape=[
            jax.ShapeDtypeStruct((N, NHID), jnp.float32),
            jax.ShapeDtypeStruct((N, 2), jnp.int32),
        ],
    )(x, w1, hist)


def _layer2_body(p_ref, deg_ref, b1_ref, w2_ref, o_ref):
    agg = p_ref[0] + p_ref[1]
    d = deg_ref[...].astype(jnp.float32)
    bsc = lax.rsqrt(jnp.maximum(d[:, 1:2], 1.0))
    h = jnp.maximum(agg * bsc + b1_ref[...], 0.0)
    a = lax.rsqrt(jnp.maximum(d[:, 0:1], 1.0))
    o_ref[...] = jnp.dot(h, w2_ref[...],
                         preferred_element_type=jnp.float32) * a


def _layer2_call(p1, deg2, b1, w2):
    return pl.pallas_call(
        _layer2_body,
        grid=(N // _RB,),
        in_specs=[
            pl.BlockSpec((NC, _RB, NHID), lambda i: (0, i, 0)),
            pl.BlockSpec((_RB, 2), lambda i: (i, 0)),
            pl.BlockSpec((1, NHID), lambda i: (0, 0)),
            pl.BlockSpec((NHID, NCLASS), lambda i: (0, 0)),
        ],
        out_specs=pl.BlockSpec((_RB, NCLASS), lambda i: (i, 0)),
        out_shape=jax.ShapeDtypeStruct((N, NCLASS), jnp.float32),
    )(p1, deg2, b1, w2)


def _final_body(p_ref, deg_ref, b2_ref, o_ref):
    d = deg_ref[...].astype(jnp.float32)
    bsc = lax.rsqrt(jnp.maximum(d[:, 1:2], 1.0))
    z = (p_ref[0] + p_ref[1]) * bsc + b2_ref[...]
    m = jnp.max(z, axis=1, keepdims=True)
    ez = jnp.exp(z - m)
    lse = jnp.log(jnp.sum(ez, axis=1, keepdims=True)) + m
    o_ref[...] = z - lse


def _final_call(p2, deg2, b2):
    return pl.pallas_call(
        _final_body,
        grid=(N // _RB,),
        in_specs=[
            pl.BlockSpec((NC, _RB, NCLASS), lambda i: (0, i, 0)),
            pl.BlockSpec((_RB, 2), lambda i: (i, 0)),
            pl.BlockSpec((1, NCLASS), lambda i: (0, 0)),
        ],
        out_specs=pl.BlockSpec((_RB, NCLASS), lambda i: (i, 0)),
        out_shape=jax.ShapeDtypeStruct((N, NCLASS), jnp.float32),
    )(p2, deg2, b2)


def kernel(x, adj, W1, b1, W2, b2):
    src = adj[0].reshape(NC, NS, EPW)
    dst = adj[1].reshape(NC, NS, EPW)
    dst_chunks = dst.reshape(NC, NS, NCH, K)
    zi = jnp.zeros((2 * N,), jnp.int32)
    z128 = jnp.zeros((ROWS_T, NHID), jnp.float32)
    z16 = jnp.zeros((ROWS_T, NCLASS), jnp.float32)

    degp = _degree_call()(src, dst, zi)
    hist = degp.reshape(NW, N, 2)

    s1, deg2 = _support1_call(x, W1, hist)
    p1 = _make_agg(NHID)(s1, src, dst_chunks, z128)
    s2 = _layer2_call(p1, deg2, b1.reshape(1, NHID), W2)
    p2 = _make_agg(NCLASS)(s2, src, dst_chunks, z16)
    return _final_call(p2, deg2, b2.reshape(1, NCLASS))

# --- scband reference (transcript-rebuilt; emitter-appended) ---
"""Pipeline reference for scband-gcn-24257975288502 (READ-ONLY COPY).

The authoritative reference and input builder live on the scoring server;
editing this copy changes nothing except your own understanding.
"""

import jax, jax.numpy as jnp
import numpy as np

N = 10000
E = 320000
NFEAT = 128
NHID = 128
NCLASS = 16


def setup_inputs(seed: int = 0) -> dict:
    key = jax.random.key(seed)
    k1, k2, k3, k4, k5, k6 = jax.random.split(key, 6)
    x = jax.random.normal(k1, (N, NFEAT), dtype=jnp.float32)
    adj = jax.random.randint(k2, (2, E), 0, N, dtype=jnp.int32)
    W1 = jax.random.normal(k3, (NFEAT, NHID), dtype=jnp.float32) * (1.0 / np.sqrt(NFEAT))
    b1 = jnp.zeros((NHID,), dtype=jnp.float32)
    W2 = jax.random.normal(k4, (NHID, NCLASS), dtype=jnp.float32) * (1.0 / np.sqrt(NHID))
    b2 = jnp.zeros((NCLASS,), dtype=jnp.float32)
    return {"x": x, "adj": adj, "W1": W1, "b1": b1, "W2": W2, "b2": b2}


def _gcn_layer(h, W, b, src, dst, norm, n_nodes):
    # GraphConvolution: support = h @ W; out = spmm(adj_norm, support) + b
    support = h @ W
    msg = jnp.take(support, src, axis=0) * norm[:, None]
    agg = jax.ops.segment_sum(msg, dst, num_segments=n_nodes)
    return agg + b


def reference(x, adj, W1, b1, W2, b2):
    src = adj[0]
    dst = adj[1]
    ones = jnp.ones((E,), dtype=x.dtype)
    deg_src = jax.ops.segment_sum(ones, src, num_segments=N)
    deg_dst = jax.ops.segment_sum(ones, dst, num_segments=N)
    # symmetric GCN normalization of the adjacency (precomputed normalized adj in torch)
    norm = jax.lax.rsqrt(jnp.clip(jnp.take(deg_src, src) * jnp.take(deg_dst, dst), 1.0, None))
    h = _gcn_layer(x, W1, b1, src, dst, norm, N)
    h = jax.nn.relu(h)
    z = _gcn_layer(h, W2, b2, src, dst, norm, N)
    return jax.nn.log_softmax(z, axis=1)

if __name__ == "__main__":
    import jax
    _d = setup_inputs()
    print(jax.jit(kernel)(*tuple(_d.values())))

</pallas_src>

<mosaic_0001>
#map = affine_map<(d0, d1) -> (0, 0, 0)>
#map1 = affine_map<(d0, d1) -> (0)>
module attributes {stable_mosaic.version = 14 : i64} {
  func.func @_degree_body(%arg0: i32, %arg1: i32, %arg2: memref<2x16x10000xi32, #tpu.memory_space<hbm>>, %arg3: memref<2x16x10000xi32, #tpu.memory_space<hbm>>, %arg4: memref<20000xi32, #tpu.memory_space<hbm>>, %arg5: memref<2x16x20000xi32, #tpu.memory_space<hbm>>, %arg6: memref<10000xi32, #tpu.memory_space<vmem>>, %arg7: memref<10000xi32, #tpu.memory_space<vmem>>, %arg8: memref<20000xi32, #tpu.memory_space<vmem>>) attributes {dimension_semantics = [#tpu.dimension_semantics<core_parallel>, #tpu.dimension_semantics<subcore_parallel>], iteration_bounds = array<i64: 2, 16>, scalar_prefetch = 0 : i64, scratch_operands = 3 : i64, tpu.core_type = #tpu.core_type<sc_vector_subcore>, window_params = [{transform_indices = #map}, {transform_indices = #map}, {transform_indices = #map1}, {transform_indices = #map}]} {
    "tpu.region"() ({
      %run_scoped3A = tpu.sem_alloc : memref<!tpu.dma_semaphore, #tpu.memory_space<semaphore_mem>>
      %dma_start3A = arith.constant 0 : i32
      %dma_start3A_6 = tpu.memref_slice %arg2[%arg0, %arg1, %dma_start3A] : memref<2x16x10000xi32, #tpu.memory_space<hbm>> -> memref<1x1x10000xi32, #tpu.memory_space<hbm>>
      %dma_start3A_7 = tpu.memref_squeeze %dma_start3A_6 : memref<1x1x10000xi32, #tpu.memory_space<hbm>> -> memref<10000xi32, #tpu.memory_space<hbm>>
      %dma_start3A_8 = arith.constant 0 : i32
      %dma_start3A_9 = tpu.memref_slice %arg2[%arg0, %arg1, %dma_start3A_8] : memref<2x16x10000xi32, #tpu.memory_space<hbm>> -> memref<1x1x10000xi32, #tpu.memory_space<hbm>>
      %dma_start3A_10 = tpu.memref_squeeze %dma_start3A_9 : memref<1x1x10000xi32, #tpu.memory_space<hbm>> -> memref<10000xi32, #tpu.memory_space<hbm>>
      tpu.enqueue_dma source(%dma_start3A_10 : memref<10000xi32, #tpu.memory_space<hbm>>) target(%arg6 : memref<10000xi32, #tpu.memory_space<vmem>>) target_semaphore(%run_scoped3A : memref<!tpu.dma_semaphore, #tpu.memory_space<semaphore_mem>>)
      %dma_wait3A = arith.constant 0 : i32
      %dma_wait3A_11 = tpu.memref_slice %arg2[%arg0, %arg1, %dma_wait3A] : memref<2x16x10000xi32, #tpu.memory_space<hbm>> -> memref<1x1x10000xi32, #tpu.memory_space<hbm>>
      %dma_wait3A_12 = tpu.memref_squeeze %dma_wait3A_11 : memref<1x1x10000xi32, #tpu.memory_space<hbm>> -> memref<10000xi32, #tpu.memory_space<hbm>>
      %dma_wait3A_13 = arith.constant 0 : i32
      %dma_wait3A_14 = tpu.memref_slice %arg2[%arg0, %arg1, %dma_wait3A_13] : memref<2x16x10000xi32, #tpu.memory_space<hbm>> -> memref<1x1x10000xi32, #tpu.memory_space<hbm>>
      %dma_wait3A_15 = tpu.memref_squeeze %dma_wait3A_14 : memref<1x1x10000xi32, #tpu.memory_space<hbm>> -> memref<10000xi32, #tpu.memory_space<hbm>>
      tpu.wait_dma2 semaphore(%run_scoped3A : memref<!tpu.dma_semaphore, #tpu.memory_space<semaphore_mem>>) src(%dma_wait3A_15 : memref<10000xi32, #tpu.memory_space<hbm>>) dst(%arg6 : memref<10000xi32, #tpu.memory_space<vmem>>)
      tpu.yield
    }) : () -> ()
    "tpu.region"() ({
      %run_scoped3A = tpu.sem_alloc : memref<!tpu.dma_semaphore, #tpu.memory_space<semaphore_mem>>
      %dma_start3A = arith.constant 0 : i32
      %dma_start3A_6 = tpu.memref_slice %arg3[%arg0, %arg1, %dma_start3A] : memref<2x16x10000xi32, #tpu.memory_space<hbm>> -> memref<1x1x10000xi32, #tpu.memory_space<hbm>>
      %dma_start3A_7 = tpu.memref_squeeze %dma_start3A_6 : memref<1x1x10000xi32, #tpu.memory_space<hbm>> -> memref<10000xi32, #tpu.memory_space<hbm>>
      %dma_start3A_8 = arith.constant 0 : i32
      %dma_start3A_9 = tpu.memref_slice %arg3[%arg0, %arg1, %dma_start3A_8] : memref<2x16x10000xi32, #tpu.memory_space<hbm>> -> memref<1x1x10000xi32, #tpu.memory_space<hbm>>
      %dma_start3A_10 = tpu.memref_squeeze %dma_start3A_9 : memref<1x1x10000xi32, #tpu.memory_space<hbm>> -> memref<10000xi32, #tpu.memory_space<hbm>>
      tpu.enqueue_dma source(%dma_start3A_10 : memref<10000xi32, #tpu.memory_space<hbm>>) target(%arg7 : memref<10000xi32, #tpu.memory_space<vmem>>) target_semaphore(%run_scoped3A : memref<!tpu.dma_semaphore, #tpu.memory_space<semaphore_mem>>)
      %dma_wait3A = arith.constant 0 : i32
      %dma_wait3A_11 = tpu.memref_slice %arg3[%arg0, %arg1, %dma_wait3A] : memref<2x16x10000xi32, #tpu.memory_space<hbm>> -> memref<1x1x10000xi32, #tpu.memory_space<hbm>>
      %dma_wait3A_12 = tpu.memref_squeeze %dma_wait3A_11 : memref<1x1x10000xi32, #tpu.memory_space<hbm>> -> memref<10000xi32, #tpu.memory_space<hbm>>
      %dma_wait3A_13 = arith.constant 0 : i32
      %dma_wait3A_14 = tpu.memref_slice %arg3[%arg0, %arg1, %dma_wait3A_13] : memref<2x16x10000xi32, #tpu.memory_space<hbm>> -> memref<1x1x10000xi32, #tpu.memory_space<hbm>>
      %dma_wait3A_15 = tpu.memref_squeeze %dma_wait3A_14 : memref<1x1x10000xi32, #tpu.memory_space<hbm>> -> memref<10000xi32, #tpu.memory_space<hbm>>
      tpu.wait_dma2 semaphore(%run_scoped3A : memref<!tpu.dma_semaphore, #tpu.memory_space<semaphore_mem>>) src(%dma_wait3A_15 : memref<10000xi32, #tpu.memory_space<hbm>>) dst(%arg7 : memref<10000xi32, #tpu.memory_space<vmem>>)
      tpu.yield
    }) : () -> ()
    "tpu.region"() ({
      %run_scoped3A = tpu.sem_alloc : memref<!tpu.dma_semaphore, #tpu.memory_space<semaphore_mem>>
      tpu.enqueue_dma source(%arg4 : memref<20000xi32, #tpu.memory_space<hbm>>) target(%arg8 : memref<20000xi32, #tpu.memory_space<vmem>>) target_semaphore(%run_scoped3A : memref<!tpu.dma_semaphore, #tpu.memory_space<semaphore_mem>>)
      tpu.wait_dma2 semaphore(%run_scoped3A : memref<!tpu.dma_semaphore, #tpu.memory_space<semaphore_mem>>) src(%arg4 : memref<20000xi32, #tpu.memory_space<hbm>>) dst(%arg8 : memref<20000xi32, #tpu.memory_space<vmem>>)
      tpu.yield
    }) : () -> ()
    %broadcast_in_dim3A = arith.constant 1 : i32
    %broadcast_in_dim3A_0 = vector.broadcast %broadcast_in_dim3A : i32 to vector<16xi32>
    %scan3A = arith.constant 0 : i32
    %scan3A_1 = arith.constant 0 : i32
    %scan3A_2 = arith.constant 625 : i32
    %scan3A_3 = arith.addi %scan3A_1, %scan3A_2 : i32
    %scan3A_4 = arith.constant 1 : i32
    scf.for %scan3A_6 = %scan3A_1 to %scan3A_3 step %scan3A_4  : i32 {
      %mul3A = arith.constant 16 : i32
      %mul3A_7 = arith.muli %scan3A_6, %mul3A : i32
      %get3A = arith.index_cast %mul3A_7 : i32 to index
      %get3A_8 = tpu.vector_load %arg6[%get3A] {strides = array<i32>} : memref<10000xi32, #tpu.memory_space<vmem>>, vector<16xi32>,
      %mul3A_9 = arith.constant 2 : i32
      %mul3A_10 = vector.broadcast %mul3A_9 : i32 to vector<16xi32>
      %mul3A_11 = arith.muli %get3A_8, %mul3A_10 : vector<16xi32>
      tpu.vector_store_idx %arg8[%mul3A_11], %broadcast_in_dim3A_0 {add = true} : memref<20000xi32, #tpu.memory_space<vmem>>[vector<16xi32>], vector<16xi32>,
      %mul3A_12 = arith.constant 16 : i32
      %mul3A_13 = arith.muli %scan3A_6, %mul3A_12 : i32
      %get3A_14 = arith.index_cast %mul3A_13 : i32 to index
      %get3A_15 = tpu.vector_load %arg7[%get3A_14] {strides = array<i32>} : memref<10000xi32, #tpu.memory_space<vmem>>, vector<16xi32>,
      %mul3A_16 = arith.constant 2 : i32
      %mul3A_17 = vector.broadcast %mul3A_16 : i32 to vector<16xi32>
      %mul3A_18 = arith.muli %get3A_15, %mul3A_17 : vector<16xi32>
      %add3A = arith.constant 1 : i32
      %add3A_19 = vector.broadcast %add3A : i32 to vector<16xi32>
      %add3A_20 = arith.addi %mul3A_18, %add3A_19 : vector<16xi32>
      tpu.vector_store_idx %arg8[%add3A_20], %broadcast_in_dim3A_0 {add = true} : memref<20000xi32, #tpu.memory_space<vmem>>[vector<16xi32>], vector<16xi32>,
    }
    %scan3A_5 = arith.constant 625 : i32
    "tpu.region"() ({
      %run_scoped3A = tpu.sem_alloc : memref<!tpu.dma_semaphore, #tpu.memory_space<semaphore_mem>>
      %dma_start3A = arith.constant 0 : i32
      %dma_start3A_6 = tpu.memref_slice %arg5[%arg0, %arg1, %dma_start3A] : memref<2x16x20000xi32, #tpu.memory_space<hbm>> -> memref<1x1x20000xi32, #tpu.memory_space<hbm>>
      %dma_start3A_7 = tpu.memref_squeeze %dma_start3A_6 : memref<1x1x20000xi32, #tpu.memory_space<hbm>> -> memref<20000xi32, #tpu.memory_space<hbm>>
      %dma_start3A_8 = arith.constant 0 : i32
      %dma_start3A_9 = tpu.memref_slice %arg5[%arg0, %arg1, %dma_start3A_8] : memref<2x16x20000xi32, #tpu.memory_space<hbm>> -> memref<1x1x20000xi32, #tpu.memory_space<hbm>>
      %dma_start3A_10 = tpu.memref_squeeze %dma_start3A_9 : memref<1x1x20000xi32, #tpu.memory_space<hbm>> -> memref<20000xi32, #tpu.memory_space<hbm>>
      tpu.enqueue_dma source(%arg8 : memref<20000xi32, #tpu.memory_space<vmem>>) target(%dma_start3A_10 : memref<20000xi32, #tpu.memory_space<hbm>>) target_semaphore(%run_scoped3A : memref<!tpu.dma_semaphore, #tpu.memory_space<semaphore_mem>>)
      %dma_wait3A = arith.constant 0 : i32
      %dma_wait3A_11 = tpu.memref_slice %arg5[%arg0, %arg1, %dma_wait3A] : memref<2x16x20000xi32, #tpu.memory_space<hbm>> -> memref<1x1x20000xi32, #tpu.memory_space<hbm>>
      %dma_wait3A_12 = tpu.memref_squeeze %dma_wait3A_11 : memref<1x1x20000xi32, #tpu.memory_space<hbm>> -> memref<20000xi32, #tpu.memory_space<hbm>>
      %dma_wait3A_13 = arith.constant 0 : i32
      %dma_wait3A_14 = tpu.memref_slice %arg5[%arg0, %arg1, %dma_wait3A_13] : memref<2x16x20000xi32, #tpu.memory_space<hbm>> -> memref<1x1x20000xi32, #tpu.memory_space<hbm>>
      %dma_wait3A_15 = tpu.memref_squeeze %dma_wait3A_14 : memref<1x1x20000xi32, #tpu.memory_space<hbm>> -> memref<20000xi32, #tpu.memory_space<hbm>>
      tpu.wait_dma2 semaphore(%run_scoped3A : memref<!tpu.dma_semaphore, #tpu.memory_space<semaphore_mem>>) src(%arg8 : memref<20000xi32, #tpu.memory_space<vmem>>) dst(%dma_wait3A_15 : memref<20000xi32, #tpu.memory_space<hbm>>)
      tpu.yield
    }) : () -> ()
    return
  }
}

#map = affine_map<(d0, d1) -> (0, 0)>
#map1 = affine_map<(d0, d1) -> (0, 0, 0)>
#map2 = affine_map<(d0, d1) -> (0, 0, 0, 0)>
module attributes {stable_mosaic.version = 14 : i64} {
  func.func @_agg_body(%arg0: i32, %arg1: i32, %arg2: memref<10000x16xf32, #tpu.memory_space<hbm>>, %arg3: memref<2x16x10000xi32, #tpu.memory_space<hbm>>, %arg4: memref<2x16x125x80xi32, #tpu.memory_space<hbm>>, %arg5: memref<640x16xf32, #tpu.memory_space<hbm>>, %arg6: memref<2x10240x16xf32, #tpu.memory_space<hbm>>, %arg7: memref<10000xi32, #tpu.memory_space<vmem>>, %arg8: memref<125x80xi32, #tpu.memory_space<vmem>>, %arg9: memref<80x16xf32, #tpu.memory_space<vmem>>, %arg10: memref<80x16xf32, #tpu.memory_space<vmem>>, %arg11: memref<!tpu.dma_semaphore, #tpu.memory_space<semaphore_mem>>, %arg12: memref<!tpu.dma_semaphore, #tpu.memory_space<semaphore_mem>>, %arg13: memref<10240x16xf32, #tpu.memory_space<vmem_shared>>) attributes {dimension_semantics = [#tpu.dimension_semantics<core_parallel>, #tpu.dimension_semantics<subcore_parallel>], iteration_bounds = array<i64: 2, 16>, scalar_prefetch = 0 : i64, scratch_operands = 7 : i64, tpu.core_type = #tpu.core_type<sc_vector_subcore>, window_params = [{transform_indices = #map}, {transform_indices = #map1}, {transform_indices = #map2}, {transform_indices = #map}, {transform_indices = #map1}]} {
    %mul3A = arith.constant 640 : i32
    %mul3A_0 = arith.muli %arg1, %mul3A : i32
    "tpu.region"() ({
      %run_scoped3A_19 = tpu.sem_alloc : memref<!tpu.dma_semaphore, #tpu.memory_space<semaphore_mem>>
      %dma_start3A_20 = arith.constant 0 : i32
      %dma_start3A_21 = tpu.memref_slice %arg13[%mul3A_0, %dma_start3A_20] : memref<10240x16xf32, #tpu.memory_space<vmem_shared>> -> memref<640x16xf32, #tpu.memory_space<vmem_shared>>
      tpu.enqueue_dma source(%arg5 : memref<640x16xf32, #tpu.memory_space<hbm>>) target(%dma_start3A_21 : memref<640x16xf32, #tpu.memory_space<vmem_shared>>) target_semaphore(%run_scoped3A_19 : memref<!tpu.dma_semaphore, #tpu.memory_space<semaphore_mem>>)
      %dma_wait3A_22 = arith.constant 0 : i32
      %dma_wait3A_23 = tpu.memref_slice %arg13[%mul3A_0, %dma_wait3A_22] : memref<10240x16xf32, #tpu.memory_space<vmem_shared>> -> memref<640x16xf32, #tpu.memory_space<vmem_shared>>
      tpu.wait_dma2 semaphore(%run_scoped3A_19 : memref<!tpu.dma_semaphore, #tpu.memory_space<semaphore_mem>>) src(%arg5 : memref<640x16xf32, #tpu.memory_space<hbm>>) dst(%dma_wait3A_23 : memref<640x16xf32, #tpu.memory_space<vmem_shared>>)
      tpu.yield
    }) : () -> ()
    "tpu.region"() ({
      %run_scoped3A_19 = tpu.sem_alloc : memref<!tpu.dma_semaphore, #tpu.memory_space<semaphore_mem>>
      %dma_start3A_20 = arith.constant 0 : i32
      %dma_start3A_21 = tpu.memref_slice %arg3[%arg0, %arg1, %dma_start3A_20] : memref<2x16x10000xi32, #tpu.memory_space<hbm>> -> memref<1x1x10000xi32, #tpu.memory_space<hbm>>
      %dma_start3A_22 = tpu.memref_squeeze %dma_start3A_21 : memref<1x1x10000xi32, #tpu.memory_space<hbm>> -> memref<10000xi32, #tpu.memory_space<hbm>>
      %dma_start3A_23 = arith.constant 0 : i32
      %dma_start3A_24 = tpu.memref_slice %arg3[%arg0, %arg1, %dma_start3A_23] : memref<2x16x10000xi32, #tpu.memory_space<hbm>> -> memref<1x1x10000xi32, #tpu.memory_space<hbm>>
      %dma_start3A_25 = tpu.memref_squeeze %dma_start3A_24 : memref<1x1x10000xi32, #tpu.memory_space<hbm>> -> memref<10000xi32, #tpu.memory_space<hbm>>
      tpu.enqueue_dma source(%dma_start3A_25 : memref<10000xi32, #tpu.memory_space<hbm>>) target(%arg7 : memref<10000xi32, #tpu.memory_space<vmem>>) target_semaphore(%run_scoped3A_19 : memref<!tpu.dma_semaphore, #tpu.memory_space<semaphore_mem>>)
      %dma_wait3A_26 = arith.constant 0 : i32
      %dma_wait3A_27 = tpu.memref_slice %arg3[%arg0, %arg1, %dma_wait3A_26] : memref<2x16x10000xi32, #tpu.memory_space<hbm>> -> memref<1x1x10000xi32, #tpu.memory_space<hbm>>
      %dma_wait3A_28 = tpu.memref_squeeze %dma_wait3A_27 : memref<1x1x10000xi32, #tpu.memory_space<hbm>> -> memref<10000xi32, #tpu.memory_space<hbm>>
      %dma_wait3A_29 = arith.constant 0 : i32
      %dma_wait3A_30 = tpu.memref_slice %arg3[%arg0, %arg1, %dma_wait3A_29] : memref<2x16x10000xi32, #tpu.memory_space<hbm>> -> memref<1x1x10000xi32, #tpu.memory_space<hbm>>
      %dma_wait3A_31 = tpu.memref_squeeze %dma_wait3A_30 : memref<1x1x10000xi32, #tpu.memory_space<hbm>> -> memref<10000xi32, #tpu.memory_space<hbm>>
      tpu.wait_dma2 semaphore(%run_scoped3A_19 : memref<!tpu.dma_semaphore, #tpu.memory_space<semaphore_mem>>) src(%dma_wait3A_31 : memref<10000xi32, #tpu.memory_space<hbm>>) dst(%arg7 : memref<10000xi32, #tpu.memory_space<vmem>>)
      tpu.yield
    }) : () -> ()
    "tpu.region"() ({
      %run_scoped3A_19 = tpu.sem_alloc : memref<!tpu.dma_semaphore, #tpu.memory_space<semaphore_mem>>
      %dma_start3A_20 = arith.constant 0 : i32
      %dma_start3A_21 = arith.constant 0 : i32
      %dma_start3A_22 = tpu.memref_slice %arg4[%arg0, %arg1, %dma_start3A_20, %dma_start3A_21] : memref<2x16x125x80xi32, #tpu.memory_space<hbm>> -> memref<1x1x125x80xi32, #tpu.memory_space<hbm>>
      %dma_start3A_23 = tpu.memref_squeeze %dma_start3A_22 : memref<1x1x125x80xi32, #tpu.memory_space<hbm>> -> memref<125x80xi32, #tpu.memory_space<hbm>>
      %dma_start3A_24 = arith.constant 0 : i32
      %dma_start3A_25 = arith.constant 0 : i32
      %dma_start3A_26 = tpu.memref_slice %arg4[%arg0, %arg1, %dma_start3A_24, %dma_start3A_25] : memref<2x16x125x80xi32, #tpu.memory_space<hbm>> -> memref<1x1x125x80xi32, #tpu.memory_space<hbm>>
      %dma_start3A_27 = tpu.memref_squeeze %dma_start3A_26 : memref<1x1x125x80xi32, #tpu.memory_space<hbm>> -> memref<125x80xi32, #tpu.memory_space<hbm>>
      tpu.enqueue_dma source(%dma_start3A_27 : memref<125x80xi32, #tpu.memory_space<hbm>>) target(%arg8 : memref<125x80xi32, #tpu.memory_space<vmem>>) target_semaphore(%run_scoped3A_19 : memref<!tpu.dma_semaphore, #tpu.memory_space<semaphore_mem>>)
      %dma_wait3A_28 = arith.constant 0 : i32
      %dma_wait3A_29 = arith.constant 0 : i32
      %dma_wait3A_30 = tpu.memref_slice %arg4[%arg0, %arg1, %dma_wait3A_28, %dma_wait3A_29] : memref<2x16x125x80xi32, #tpu.memory_space<hbm>> -> memref<1x1x125x80xi32, #tpu.memory_space<hbm>>
      %dma_wait3A_31 = tpu.memref_squeeze %dma_wait3A_30 : memref<1x1x125x80xi32, #tpu.memory_space<hbm>> -> memref<125x80xi32, #tpu.memory_space<hbm>>
      %dma_wait3A_32 = arith.constant 0 : i32
      %dma_wait3A_33 = arith.constant 0 : i32
      %dma_wait3A_34 = tpu.memref_slice %arg4[%arg0, %arg1, %dma_wait3A_32, %dma_wait3A_33] : memref<2x16x125x80xi32, #tpu.memory_space<hbm>> -> memref<1x1x125x80xi32, #tpu.memory_space<hbm>>
      %dma_wait3A_35 = tpu.memref_squeeze %dma_wait3A_34 : memref<1x1x125x80xi32, #tpu.memory_space<hbm>> -> memref<125x80xi32, #tpu.memory_space<hbm>>
      tpu.wait_dma2 semaphore(%run_scoped3A_19 : memref<!tpu.dma_semaphore, #tpu.memory_space<semaphore_mem>>) src(%dma_wait3A_35 : memref<125x80xi32, #tpu.memory_space<hbm>>) dst(%arg8 : memref<125x80xi32, #tpu.memory_space<vmem>>)
      tpu.yield
    }) : () -> ()
    %barrier3A = arith.constant 0 : index
    tpu.barrier barrier_id(%barrier3A)
    %dma_start3A = arith.constant 0 : i32
    %dma_start3A_1 = tpu.memref_slice %arg7[%dma_start3A] : memref<10000xi32, #tpu.memory_space<vmem>> -> memref<80xi32, #tpu.memory_space<vmem>>
    %dma_start3A_2 = arith.constant 0 : i32
    %dma_start3A_3 = arith.constant 0 : i32
    %dma_start3A_4 = tpu.memref_slice %arg2[%dma_start3A_2, %dma_start3A_3] : memref<10000x16xf32, #tpu.memory_space<hbm>> -> memref<10000x16xf32, #tpu.memory_space<hbm>>
    tpu.enqueue_indirect_dma source(%dma_start3A_4 : memref<10000x16xf32, #tpu.memory_space<hbm>>) target(%arg9 : memref<80x16xf32, #tpu.memory_space<vmem>>) offsets(%dma_start3A_1 : memref<80xi32, #tpu.memory_space<vmem>>) semaphore(%arg11 : memref<!tpu.dma_semaphore, #tpu.memory_space<semaphore_mem>>)
    %scan3A = arith.constant 0 : i32
    %scan3A_5 = arith.constant 0 : i32
    %scan3A_6 = arith.constant 62 : i32
    %scan3A_7 = arith.addi %scan3A_5, %scan3A_6 : i32
    %scan3A_8 = arith.constant 1 : i32
    scf.for %scan3A_19 = %scan3A_5 to %scan3A_7 step %scan3A_8  : i32 {
      %mul3A_20 = arith.constant 2 : i32
      %mul3A_21 = arith.muli %mul3A_20, %scan3A_19 : i32
      %add3A = arith.constant 1 : i32
      %add3A_22 = arith.addi %mul3A_21, %add3A : i32
      %mul3A_23 = arith.constant 80 : i32
      %mul3A_24 = arith.muli %add3A_22, %mul3A_23 : i32
      %dma_start3A_25 = tpu.memref_slice %arg7[%mul3A_24] : memref<10000xi32, #tpu.memory_space<vmem>> -> memref<80xi32, #tpu.memory_space<vmem>>
      %dma_start3A_26 = arith.constant 0 : i32
      %dma_start3A_27 = arith.constant 0 : i32
      %dma_start3A_28 = tpu.memref_slice %arg2[%dma_start3A_26, %dma_start3A_27] : memref<10000x16xf32, #tpu.memory_space<hbm>> -> memref<10000x16xf32, #tpu.memory_space<hbm>>
      tpu.enqueue_indirect_dma source(%dma_start3A_28 : memref<10000x16xf32, #tpu.memory_space<hbm>>) target(%arg10 : memref<80x16xf32, #tpu.memory_space<vmem>>) offsets(%dma_start3A_25 : memref<80xi32, #tpu.memory_space<vmem>>) semaphore(%arg12 : memref<!tpu.dma_semaphore, #tpu.memory_space<semaphore_mem>>)
      %dma_wait3A_29 = arith.constant 0 : i32
      %dma_wait3A_30 = tpu.memref_slice %arg7[%dma_wait3A_29] : memref<10000xi32, #tpu.memory_space<vmem>> -> memref<80xi32, #tpu.memory_space<vmem>>
      %dma_wait3A_31 = arith.constant 0 : i32
      %dma_wait3A_32 = arith.constant 0 : i32
      %dma_wait3A_33 = tpu.memref_slice %arg2[%dma_wait3A_31, %dma_wait3A_32] : memref<10000x16xf32, #tpu.memory_space<hbm>> -> memref<10000x16xf32, #tpu.memory_space<hbm>>
      tpu.wait_indirect_dma semaphore(%arg11 : memref<!tpu.dma_semaphore, #tpu.memory_space<semaphore_mem>>) src(%dma_wait3A_33 : memref<10000x16xf32, #tpu.memory_space<hbm>>) dst(%arg9 : memref<80x16xf32, #tpu.memory_space<vmem>>)
      "tpu.region"() ({
        %run_scoped3A_49 = tpu.sem_alloc : memref<!tpu.dma_semaphore, #tpu.memory_space<semaphore_mem>>
        %dma_start3A_50 = arith.constant 0 : i32
        %dma_start3A_51 = tpu.memref_slice %arg8[%mul3A_21, %dma_start3A_50] : memref<125x80xi32, #tpu.memory_space<vmem>> -> memref<1x80xi32, #tpu.memory_space<vmem>>
        %dma_start3A_52 = tpu.memref_squeeze %dma_start3A_51 : memref<1x80xi32, #tpu.memory_space<vmem>> -> memref<80xi32, #tpu.memory_space<vmem>>
        %dma_start3A_53 = arith.constant 0 : i32
        %dma_start3A_54 = arith.constant 0 : i32
        %dma_start3A_55 = tpu.memref_slice %arg13[%dma_start3A_53, %dma_start3A_54] : memref<10240x16xf32, #tpu.memory_space<vmem_shared>> -> memref<10240x16xf32, #tpu.memory_space<vmem_shared>>
        tpu.enqueue_indirect_dma source(%arg9 : memref<80x16xf32, #tpu.memory_space<vmem>>) target(%dma_start3A_55 : memref<10240x16xf32, #tpu.memory_space<vmem_shared>>) offsets(%dma_start3A_52 : memref<80xi32, #tpu.memory_space<vmem>>) semaphore(%run_scoped3A_49 : memref<!tpu.dma_semaphore, #tpu.memory_space<semaphore_mem>>) {add = true}
        %dma_wait3A_56 = arith.constant 0 : i32
        %dma_wait3A_57 = tpu.memref_slice %arg8[%mul3A_21, %dma_wait3A_56] : memref<125x80xi32, #tpu.memory_space<vmem>> -> memref<1x80xi32, #tpu.memory_space<vmem>>
        %dma_wait3A_58 = tpu.memref_squeeze %dma_wait3A_57 : memref<1x80xi32, #tpu.memory_space<vmem>> -> memref<80xi32, #tpu.memory_space<vmem>>
        %dma_wait3A_59 = arith.constant 0 : i32
        %dma_wait3A_60 = arith.constant 0 : i32
        %dma_wait3A_61 = tpu.memref_slice %arg13[%dma_wait3A_59, %dma_wait3A_60] : memref<10240x16xf32, #tpu.memory_space<vmem_shared>> -> memref<10240x16xf32, #tpu.memory_space<vmem_shared>>
        tpu.wait_indirect_dma semaphore(%run_scoped3A_49 : memref<!tpu.dma_semaphore, #tpu.memory_space<semaphore_mem>>) src(%arg9 : memref<80x16xf32, #tpu.memory_space<vmem>>) dst(%dma_wait3A_61 : memref<10240x16xf32, #tpu.memory_space<vmem_shared>>)
        tpu.yield
      }) : () -> ()
      %add3A_34 = arith.constant 2 : i32
      %add3A_35 = arith.addi %mul3A_21, %add3A_34 : i32
      %mul3A_36 = arith.constant 80 : i32
      %mul3A_37 = arith.muli %add3A_35, %mul3A_36 : i32
      %dma_start3A_38 = tpu.memref_slice %arg7[%mul3A_37] : memref<10000xi32, #tpu.memory_space<vmem>> -> memref<80xi32, #tpu.memory_space<vmem>>
      %dma_start3A_39 = arith.constant 0 : i32
      %dma_start3A_40 = arith.constant 0 : i32
      %dma_start3A_41 = tpu.memref_slice %arg2[%dma_start3A_39, %dma_start3A_40] : memref<10000x16xf32, #tpu.memory_space<hbm>> -> memref<10000x16xf32, #tpu.memory_space<hbm>>
      tpu.enqueue_indirect_dma source(%dma_start3A_41 : memref<10000x16xf32, #tpu.memory_space<hbm>>) target(%arg9 : memref<80x16xf32, #tpu.memory_space<vmem>>) offsets(%dma_start3A_38 : memref<80xi32, #tpu.memory_space<vmem>>) semaphore(%arg11 : memref<!tpu.dma_semaphore, #tpu.memory_space<semaphore_mem>>)
      %dma_wait3A_42 = arith.constant 0 : i32
      %dma_wait3A_43 = tpu.memref_slice %arg7[%dma_wait3A_42] : memref<10000xi32, #tpu.memory_space<vmem>> -> memref<80xi32, #tpu.memory_space<vmem>>
      %dma_wait3A_44 = arith.constant 0 : i32
      %dma_wait3A_45 = arith.constant 0 : i32
      %dma_wait3A_46 = tpu.memref_slice %arg2[%dma_wait3A_44, %dma_wait3A_45] : memref<10000x16xf32, #tpu.memory_space<hbm>> -> memref<10000x16xf32, #tpu.memory_space<hbm>>
      tpu.wait_indirect_dma semaphore(%arg12 : memref<!tpu.dma_semaphore, #tpu.memory_space<semaphore_mem>>) src(%dma_wait3A_46 : memref<10000x16xf32, #tpu.memory_space<hbm>>) dst(%arg10 : memref<80x16xf32, #tpu.memory_space<vmem>>)
      %add3A_47 = arith.constant 1 : i32
      %add3A_48 = arith.addi %mul3A_21, %add3A_47 : i32
      "tpu.region"() ({
        %run_scoped3A_49 = tpu.sem_alloc : memref<!tpu.dma_semaphore, #tpu.memory_space<semaphore_mem>>
        %dma_start3A_50 = arith.constant 0 : i32
        %dma_start3A_51 = tpu.memref_slice %arg8[%add3A_48, %dma_start3A_50] : memref<125x80xi32, #tpu.memory_space<vmem>> -> memref<1x80xi32, #tpu.memory_space<vmem>>
        %dma_start3A_52 = tpu.memref_squeeze %dma_start3A_51 : memref<1x80xi32, #tpu.memory_space<vmem>> -> memref<80xi32, #tpu.memory_space<vmem>>
        %dma_start3A_53 = arith.constant 0 : i32
        %dma_start3A_54 = arith.constant 0 : i32
        %dma_start3A_55 = tpu.memref_slice %arg13[%dma_start3A_53, %dma_start3A_54] : memref<10240x16xf32, #tpu.memory_space<vmem_shared>> -> memref<10240x16xf32, #tpu.memory_space<vmem_shared>>
        tpu.enqueue_indirect_dma source(%arg10 : memref<80x16xf32, #tpu.memory_space<vmem>>) target(%dma_start3A_55 : memref<10240x16xf32, #tpu.memory_space<vmem_shared>>) offsets(%dma_start3A_52 : memref<80xi32, #tpu.memory_space<vmem>>) semaphore(%run_scoped3A_49 : memref<!tpu.dma_semaphore, #tpu.memory_space<semaphore_mem>>) {add = true}
        %dma_wait3A_56 = arith.constant 0 : i32
        %dma_wait3A_57 = tpu.memref_slice %arg8[%add3A_48, %dma_wait3A_56] : memref<125x80xi32, #tpu.memory_space<vmem>> -> memref<1x80xi32, #tpu.memory_space<vmem>>
        %dma_wait3A_58 = tpu.memref_squeeze %dma_wait3A_57 : memref<1x80xi32, #tpu.memory_space<vmem>> -> memref<80xi32, #tpu.memory_space<vmem>>
        %dma_wait3A_59 = arith.constant 0 : i32
        %dma_wait3A_60 = arith.constant 0 : i32
        %dma_wait3A_61 = tpu.memref_slice %arg13[%dma_wait3A_59, %dma_wait3A_60] : memref<10240x16xf32, #tpu.memory_space<vmem_shared>> -> memref<10240x16xf32, #tpu.memory_space<vmem_shared>>
        tpu.wait_indirect_dma semaphore(%run_scoped3A_49 : memref<!tpu.dma_semaphore, #tpu.memory_space<semaphore_mem>>) src(%arg10 : memref<80x16xf32, #tpu.memory_space<vmem>>) dst(%dma_wait3A_61 : memref<10240x16xf32, #tpu.memory_space<vmem_shared>>)
        tpu.yield
      }) : () -> ()
    }
    %scan3A_9 = arith.constant 62 : i32
    %dma_wait3A = arith.constant 0 : i32
    %dma_wait3A_10 = tpu.memref_slice %arg7[%dma_wait3A] : memref<10000xi32, #tpu.memory_space<vmem>> -> memref<80xi32, #tpu.memory_space<vmem>>
    %dma_wait3A_11 = arith.constant 0 : i32
    %dma_wait3A_12 = arith.constant 0 : i32
    %dma_wait3A_13 = tpu.memref_slice %arg2[%dma_wait3A_11, %dma_wait3A_12] : memref<10000x16xf32, #tpu.memory_space<hbm>> -> memref<10000x16xf32, #tpu.memory_space<hbm>>
    tpu.wait_indirect_dma semaphore(%arg11 : memref<!tpu.dma_semaphore, #tpu.memory_space<semaphore_mem>>) src(%dma_wait3A_13 : memref<10000x16xf32, #tpu.memory_space<hbm>>) dst(%arg9 : memref<80x16xf32, #tpu.memory_space<vmem>>)
    %run_scoped3A = arith.constant 124 : i32
    "tpu.region"() ({
      %run_scoped3A_19 = tpu.sem_alloc : memref<!tpu.dma_semaphore, #tpu.memory_space<semaphore_mem>>
      %dma_start3A_20 = arith.constant 0 : i32
      %dma_start3A_21 = tpu.memref_slice %arg8[%run_scoped3A, %dma_start3A_20] : memref<125x80xi32, #tpu.memory_space<vmem>> -> memref<1x80xi32, #tpu.memory_space<vmem>>
      %dma_start3A_22 = tpu.memref_squeeze %dma_start3A_21 : memref<1x80xi32, #tpu.memory_space<vmem>> -> memref<80xi32, #tpu.memory_space<vmem>>
      %dma_start3A_23 = arith.constant 0 : i32
      %dma_start3A_24 = arith.constant 0 : i32
      %dma_start3A_25 = tpu.memref_slice %arg13[%dma_start3A_23, %dma_start3A_24] : memref<10240x16xf32, #tpu.memory_space<vmem_shared>> -> memref<10240x16xf32, #tpu.memory_space<vmem_shared>>
      tpu.enqueue_indirect_dma source(%arg9 : memref<80x16xf32, #tpu.memory_space<vmem>>) target(%dma_start3A_25 : memref<10240x16xf32, #tpu.memory_space<vmem_shared>>) offsets(%dma_start3A_22 : memref<80xi32, #tpu.memory_space<vmem>>) semaphore(%run_scoped3A_19 : memref<!tpu.dma_semaphore, #tpu.memory_space<semaphore_mem>>) {add = true}
      %dma_wait3A_26 = arith.constant 0 : i32
      %dma_wait3A_27 = tpu.memref_slice %arg8[%run_scoped3A, %dma_wait3A_26] : memref<125x80xi32, #tpu.memory_space<vmem>> -> memref<1x80xi32, #tpu.memory_space<vmem>>
      %dma_wait3A_28 = tpu.memref_squeeze %dma_wait3A_27 : memref<1x80xi32, #tpu.memory_space<vmem>> -> memref<80xi32, #tpu.memory_space<vmem>>
      %dma_wait3A_29 = arith.constant 0 : i32
      %dma_wait3A_30 = arith.constant 0 : i32
      %dma_wait3A_31 = tpu.memref_slice %arg13[%dma_wait3A_29, %dma_wait3A_30] : memref<10240x16xf32, #tpu.memory_space<vmem_shared>> -> memref<10240x16xf32, #tpu.memory_space<vmem_shared>>
      tpu.wait_indirect_dma semaphore(%run_scoped3A_19 : memref<!tpu.dma_semaphore, #tpu.memory_space<semaphore_mem>>) src(%arg9 : memref<80x16xf32, #tpu.memory_space<vmem>>) dst(%dma_wait3A_31 : memref<10240x16xf32, #tpu.memory_space<vmem_shared>>)
      tpu.yield
    }) : () -> ()
    %barrier3A_14 = arith.constant 0 : index
    tpu.barrier barrier_id(%barrier3A_14)
    %mul3A_15 = arith.constant 640 : i32
    %mul3A_16 = arith.muli %arg1, %mul3A_15 : i32
    %mul3A_17 = arith.constant 640 : i32
    %mul3A_18 = arith.muli %arg1, %mul3A_17 : i32
    "tpu.region"() ({
      %run_scoped3A_19 = tpu.sem_alloc : memref<!tpu.dma_semaphore, #tpu.memory_space<semaphore_mem>>
      %dma_start3A_20 = arith.constant 0 : i32
      %dma_start3A_21 = tpu.memref_slice %arg6[%arg0, %mul3A_18, %dma_start3A_20] : memref<2x10240x16xf32, #tpu.memory_space<hbm>> -> memref<1x640x16xf32, #tpu.memory_space<hbm>>
      %dma_start3A_22 = tpu.memref_squeeze %dma_start3A_21 : memref<1x640x16xf32, #tpu.memory_space<hbm>> -> memref<640x16xf32, #tpu.memory_space<hbm>>
      %dma_start3A_23 = arith.constant 0 : i32
      %dma_start3A_24 = tpu.memref_slice %arg13[%mul3A_16, %dma_start3A_23] : memref<10240x16xf32, #tpu.memory_space<vmem_shared>> -> memref<640x16xf32, #tpu.memory_space<vmem_shared>>
      tpu.enqueue_dma source(%dma_start3A_24 : memref<640x16xf32, #tpu.memory_space<vmem_shared>>) target(%dma_start3A_22 : memref<640x16xf32, #tpu.memory_space<hbm>>) target_semaphore(%run_scoped3A_19 : memref<!tpu.dma_semaphore, #tpu.memory_space<semaphore_mem>>)
      %dma_wait3A_25 = arith.constant 0 : i32
      %dma_wait3A_26 = tpu.memref_slice %arg6[%arg0, %mul3A_18, %dma_wait3A_25] : memref<2x10240x16xf32, #tpu.memory_space<hbm>> -> memref<1x640x16xf32, #tpu.memory_space<hbm>>
      %dma_wait3A_27 = tpu.memref_squeeze %dma_wait3A_26 : memref<1x640x16xf32, #tpu.memory_space<hbm>> -> memref<640x16xf32, #tpu.memory_space<hbm>>
      %dma_wait3A_28 = arith.constant 0 : i32
      %dma_wait3A_29 = tpu.memref_slice %arg13[%mul3A_16, %dma_wait3A_28] : memref<10240x16xf32, #tpu.memory_space<vmem_shared>> -> memref<640x16xf32, #tpu.memory_space<vmem_shared>>
      tpu.wait_dma2 semaphore(%run_scoped3A_19 : memref<!tpu.dma_semaphore, #tpu.memory_space<semaphore_mem>>) src(%dma_wait3A_29 : memref<640x16xf32, #tpu.memory_space<vmem_shared>>) dst(%dma_wait3A_27 : memref<640x16xf32, #tpu.memory_space<hbm>>)
      tpu.yield
    }) : () -> ()
    return
  }
}

#map = affine_map<(d0, d1) -> (0, 0)>
#map1 = affine_map<(d0, d1) -> (0, 0, 0)>
#map2 = affine_map<(d0, d1) -> (0, 0, 0, 0)>
module attributes {stable_mosaic.version = 14 : i64} {
  func.func @_agg_body(%arg0: i32, %arg1: i32, %arg2: memref<10000x128xf32, #tpu.memory_space<hbm>>, %arg3: memref<2x16x10000xi32, #tpu.memory_space<hbm>>, %arg4: memref<2x16x125x80xi32, #tpu.memory_space<hbm>>, %arg5: memref<640x128xf32, #tpu.memory_space<hbm>>, %arg6: memref<2x10240x128xf32, #tpu.memory_space<hbm>>, %arg7: memref<10000xi32, #tpu.memory_space<vmem>>, %arg8: memref<125x80xi32, #tpu.memory_space<vmem>>, %arg9: memref<80x128xf32, #tpu.memory_space<vmem>>, %arg10: memref<80x128xf32, #tpu.memory_space<vmem>>, %arg11: memref<!tpu.dma_semaphore, #tpu.memory_space<semaphore_mem>>, %arg12: memref<!tpu.dma_semaphore, #tpu.memory_space<semaphore_mem>>, %arg13: memref<10240x128xf32, #tpu.memory_space<vmem_shared>>) attributes {dimension_semantics = [#tpu.dimension_semantics<core_parallel>, #tpu.dimension_semantics<subcore_parallel>], iteration_bounds = array<i64: 2, 16>, scalar_prefetch = 0 : i64, scratch_operands = 7 : i64, tpu.core_type = #tpu.core_type<sc_vector_subcore>, window_params = [{transform_indices = #map}, {transform_indices = #map1}, {transform_indices = #map2}, {transform_indices = #map}, {transform_indices = #map1}]} {
    %mul3A = arith.constant 640 : i32
    %mul3A_0 = arith.muli %arg1, %mul3A : i32
    "tpu.region"() ({
      %run_scoped3A_19 = tpu.sem_alloc : memref<!tpu.dma_semaphore, #tpu.memory_space<semaphore_mem>>
      %dma_start3A_20 = arith.constant 0 : i32
      %dma_start3A_21 = tpu.memref_slice %arg13[%mul3A_0, %dma_start3A_20] : memref<10240x128xf32, #tpu.memory_space<vmem_shared>> -> memref<640x128xf32, #tpu.memory_space<vmem_shared>>
      tpu.enqueue_dma source(%arg5 : memref<640x128xf32, #tpu.memory_space<hbm>>) target(%dma_start3A_21 : memref<640x128xf32, #tpu.memory_space<vmem_shared>>) target_semaphore(%run_scoped3A_19 : memref<!tpu.dma_semaphore, #tpu.memory_space<semaphore_mem>>)
      %dma_wait3A_22 = arith.constant 0 : i32
      %dma_wait3A_23 = tpu.memref_slice %arg13[%mul3A_0, %dma_wait3A_22] : memref<10240x128xf32, #tpu.memory_space<vmem_shared>> -> memref<640x128xf32, #tpu.memory_space<vmem_shared>>
      tpu.wait_dma2 semaphore(%run_scoped3A_19 : memref<!tpu.dma_semaphore, #tpu.memory_space<semaphore_mem>>) src(%arg5 : memref<640x128xf32, #tpu.memory_space<hbm>>) dst(%dma_wait3A_23 : memref<640x128xf32, #tpu.memory_space<vmem_shared>>)
      tpu.yield
    }) : () -> ()
    "tpu.region"() ({
      %run_scoped3A_19 = tpu.sem_alloc : memref<!tpu.dma_semaphore, #tpu.memory_space<semaphore_mem>>
      %dma_start3A_20 = arith.constant 0 : i32
      %dma_start3A_21 = tpu.memref_slice %arg3[%arg0, %arg1, %dma_start3A_20] : memref<2x16x10000xi32, #tpu.memory_space<hbm>> -> memref<1x1x10000xi32, #tpu.memory_space<hbm>>
      %dma_start3A_22 = tpu.memref_squeeze %dma_start3A_21 : memref<1x1x10000xi32, #tpu.memory_space<hbm>> -> memref<10000xi32, #tpu.memory_space<hbm>>
      %dma_start3A_23 = arith.constant 0 : i32
      %dma_start3A_24 = tpu.memref_slice %arg3[%arg0, %arg1, %dma_start3A_23] : memref<2x16x10000xi32, #tpu.memory_space<hbm>> -> memref<1x1x10000xi32, #tpu.memory_space<hbm>>
      %dma_start3A_25 = tpu.memref_squeeze %dma_start3A_24 : memref<1x1x10000xi32, #tpu.memory_space<hbm>> -> memref<10000xi32, #tpu.memory_space<hbm>>
      tpu.enqueue_dma source(%dma_start3A_25 : memref<10000xi32, #tpu.memory_space<hbm>>) target(%arg7 : memref<10000xi32, #tpu.memory_space<vmem>>) target_semaphore(%run_scoped3A_19 : memref<!tpu.dma_semaphore, #tpu.memory_space<semaphore_mem>>)
      %dma_wait3A_26 = arith.constant 0 : i32
      %dma_wait3A_27 = tpu.memref_slice %arg3[%arg0, %arg1, %dma_wait3A_26] : memref<2x16x10000xi32, #tpu.memory_space<hbm>> -> memref<1x1x10000xi32, #tpu.memory_space<hbm>>
      %dma_wait3A_28 = tpu.memref_squeeze %dma_wait3A_27 : memref<1x1x10000xi32, #tpu.memory_space<hbm>> -> memref<10000xi32, #tpu.memory_space<hbm>>
      %dma_wait3A_29 = arith.constant 0 : i32
      %dma_wait3A_30 = tpu.memref_slice %arg3[%arg0, %arg1, %dma_wait3A_29] : memref<2x16x10000xi32, #tpu.memory_space<hbm>> -> memref<1x1x10000xi32, #tpu.memory_space<hbm>>
      %dma_wait3A_31 = tpu.memref_squeeze %dma_wait3A_30 : memref<1x1x10000xi32, #tpu.memory_space<hbm>> -> memref<10000xi32, #tpu.memory_space<hbm>>
      tpu.wait_dma2 semaphore(%run_scoped3A_19 : memref<!tpu.dma_semaphore, #tpu.memory_space<semaphore_mem>>) src(%dma_wait3A_31 : memref<10000xi32, #tpu.memory_space<hbm>>) dst(%arg7 : memref<10000xi32, #tpu.memory_space<vmem>>)
      tpu.yield
    }) : () -> ()
    "tpu.region"() ({
      %run_scoped3A_19 = tpu.sem_alloc : memref<!tpu.dma_semaphore, #tpu.memory_space<semaphore_mem>>
      %dma_start3A_20 = arith.constant 0 : i32
      %dma_start3A_21 = arith.constant 0 : i32
      %dma_start3A_22 = tpu.memref_slice %arg4[%arg0, %arg1, %dma_start3A_20, %dma_start3A_21] : memref<2x16x125x80xi32, #tpu.memory_space<hbm>> -> memref<1x1x125x80xi32, #tpu.memory_space<hbm>>
      %dma_start3A_23 = tpu.memref_squeeze %dma_start3A_22 : memref<1x1x125x80xi32, #tpu.memory_space<hbm>> -> memref<125x80xi32, #tpu.memory_space<hbm>>
      %dma_start3A_24 = arith.constant 0 : i32
      %dma_start3A_25 = arith.constant 0 : i32
      %dma_start3A_26 = tpu.memref_slice %arg4[%arg0, %arg1, %dma_start3A_24, %dma_start3A_25] : memref<2x16x125x80xi32, #tpu.memory_space<hbm>> -> memref<1x1x125x80xi32, #tpu.memory_space<hbm>>
      %dma_start3A_27 = tpu.memref_squeeze %dma_start3A_26 : memref<1x1x125x80xi32, #tpu.memory_space<hbm>> -> memref<125x80xi32, #tpu.memory_space<hbm>>
      tpu.enqueue_dma source(%dma_start3A_27 : memref<125x80xi32, #tpu.memory_space<hbm>>) target(%arg8 : memref<125x80xi32, #tpu.memory_space<vmem>>) target_semaphore(%run_scoped3A_19 : memref<!tpu.dma_semaphore, #tpu.memory_space<semaphore_mem>>)
      %dma_wait3A_28 = arith.constant 0 : i32
      %dma_wait3A_29 = arith.constant 0 : i32
      %dma_wait3A_30 = tpu.memref_slice %arg4[%arg0, %arg1, %dma_wait3A_28, %dma_wait3A_29] : memref<2x16x125x80xi32, #tpu.memory_space<hbm>> -> memref<1x1x125x80xi32, #tpu.memory_space<hbm>>
      %dma_wait3A_31 = tpu.memref_squeeze %dma_wait3A_30 : memref<1x1x125x80xi32, #tpu.memory_space<hbm>> -> memref<125x80xi32, #tpu.memory_space<hbm>>
      %dma_wait3A_32 = arith.constant 0 : i32
      %dma_wait3A_33 = arith.constant 0 : i32
      %dma_wait3A_34 = tpu.memref_slice %arg4[%arg0, %arg1, %dma_wait3A_32, %dma_wait3A_33] : memref<2x16x125x80xi32, #tpu.memory_space<hbm>> -> memref<1x1x125x80xi32, #tpu.memory_space<hbm>>
      %dma_wait3A_35 = tpu.memref_squeeze %dma_wait3A_34 : memref<1x1x125x80xi32, #tpu.memory_space<hbm>> -> memref<125x80xi32, #tpu.memory_space<hbm>>
      tpu.wait_dma2 semaphore(%run_scoped3A_19 : memref<!tpu.dma_semaphore, #tpu.memory_space<semaphore_mem>>) src(%dma_wait3A_35 : memref<125x80xi32, #tpu.memory_space<hbm>>) dst(%arg8 : memref<125x80xi32, #tpu.memory_space<vmem>>)
      tpu.yield
    }) : () -> ()
    %barrier3A = arith.constant 0 : index
    tpu.barrier barrier_id(%barrier3A)
    %dma_start3A = arith.constant 0 : i32
    %dma_start3A_1 = tpu.memref_slice %arg7[%dma_start3A] : memref<10000xi32, #tpu.memory_space<vmem>> -> memref<80xi32, #tpu.memory_space<vmem>>
    %dma_start3A_2 = arith.constant 0 : i32
    %dma_start3A_3 = arith.constant 0 : i32
    %dma_start3A_4 = tpu.memref_slice %arg2[%dma_start3A_2, %dma_start3A_3] : memref<10000x128xf32, #tpu.memory_space<hbm>> -> memref<10000x128xf32, #tpu.memory_space<hbm>>
    tpu.enqueue_indirect_dma source(%dma_start3A_4 : memref<10000x128xf32, #tpu.memory_space<hbm>>) target(%arg9 : memref<80x128xf32, #tpu.memory_space<vmem>>) offsets(%dma_start3A_1 : memref<80xi32, #tpu.memory_space<vmem>>) semaphore(%arg11 : memref<!tpu.dma_semaphore, #tpu.memory_space<semaphore_mem>>)
    %scan3A = arith.constant 0 : i32
    %scan3A_5 = arith.constant 0 : i32
    %scan3A_6 = arith.constant 62 : i32
    %scan3A_7 = arith.addi %scan3A_5, %scan3A_6 : i32
    %scan3A_8 = arith.constant 1 : i32
    scf.for %scan3A_19 = %scan3A_5 to %scan3A_7 step %scan3A_8  : i32 {
      %mul3A_20 = arith.constant 2 : i32
      %mul3A_21 = arith.muli %mul3A_20, %scan3A_19 : i32
      %add3A = arith.constant 1 : i32
      %add3A_22 = arith.addi %mul3A_21, %add3A : i32
      %mul3A_23 = arith.constant 80 : i32
      %mul3A_24 = arith.muli %add3A_22, %mul3A_23 : i32
      %dma_start3A_25 = tpu.memref_slice %arg7[%mul3A_24] : memref<10000xi32, #tpu.memory_space<vmem>> -> memref<80xi32, #tpu.memory_space<vmem>>
      %dma_start3A_26 = arith.constant 0 : i32
      %dma_start3A_27 = arith.constant 0 : i32
      %dma_start3A_28 = tpu.memref_slice %arg2[%dma_start3A_26, %dma_start3A_27] : memref<10000x128xf32, #tpu.memory_space<hbm>> -> memref<10000x128xf32, #tpu.memory_space<hbm>>
      tpu.enqueue_indirect_dma source(%dma_start3A_28 : memref<10000x128xf32, #tpu.memory_space<hbm>>) target(%arg10 : memref<80x128xf32, #tpu.memory_space<vmem>>) offsets(%dma_start3A_25 : memref<80xi32, #tpu.memory_space<vmem>>) semaphore(%arg12 : memref<!tpu.dma_semaphore, #tpu.memory_space<semaphore_mem>>)
      %dma_wait3A_29 = arith.constant 0 : i32
      %dma_wait3A_30 = tpu.memref_slice %arg7[%dma_wait3A_29] : memref<10000xi32, #tpu.memory_space<vmem>> -> memref<80xi32, #tpu.memory_space<vmem>>
      %dma_wait3A_31 = arith.constant 0 : i32
      %dma_wait3A_32 = arith.constant 0 : i32
      %dma_wait3A_33 = tpu.memref_slice %arg2[%dma_wait3A_31, %dma_wait3A_32] : memref<10000x128xf32, #tpu.memory_space<hbm>> -> memref<10000x128xf32, #tpu.memory_space<hbm>>
      tpu.wait_indirect_dma semaphore(%arg11 : memref<!tpu.dma_semaphore, #tpu.memory_space<semaphore_mem>>) src(%dma_wait3A_33 : memref<10000x128xf32, #tpu.memory_space<hbm>>) dst(%arg9 : memref<80x128xf32, #tpu.memory_space<vmem>>)
      "tpu.region"() ({
        %run_scoped3A_49 = tpu.sem_alloc : memref<!tpu.dma_semaphore, #tpu.memory_space<semaphore_mem>>
        %dma_start3A_50 = arith.constant 0 : i32
        %dma_start3A_51 = tpu.memref_slice %arg8[%mul3A_21, %dma_start3A_50] : memref<125x80xi32, #tpu.memory_space<vmem>> -> memref<1x80xi32, #tpu.memory_space<vmem>>
        %dma_start3A_52 = tpu.memref_squeeze %dma_start3A_51 : memref<1x80xi32, #tpu.memory_space<vmem>> -> memref<80xi32, #tpu.memory_space<vmem>>
        %dma_start3A_53 = arith.constant 0 : i32
        %dma_start3A_54 = arith.constant 0 : i32
        %dma_start3A_55 = tpu.memref_slice %arg13[%dma_start3A_53, %dma_start3A_54] : memref<10240x128xf32, #tpu.memory_space<vmem_shared>> -> memref<10240x128xf32, #tpu.memory_space<vmem_shared>>
        tpu.enqueue_indirect_dma source(%arg9 : memref<80x128xf32, #tpu.memory_space<vmem>>) target(%dma_start3A_55 : memref<10240x128xf32, #tpu.memory_space<vmem_shared>>) offsets(%dma_start3A_52 : memref<80xi32, #tpu.memory_space<vmem>>) semaphore(%run_scoped3A_49 : memref<!tpu.dma_semaphore, #tpu.memory_space<semaphore_mem>>) {add = true}
        %dma_wait3A_56 = arith.constant 0 : i32
        %dma_wait3A_57 = tpu.memref_slice %arg8[%mul3A_21, %dma_wait3A_56] : memref<125x80xi32, #tpu.memory_space<vmem>> -> memref<1x80xi32, #tpu.memory_space<vmem>>
        %dma_wait3A_58 = tpu.memref_squeeze %dma_wait3A_57 : memref<1x80xi32, #tpu.memory_space<vmem>> -> memref<80xi32, #tpu.memory_space<vmem>>
        %dma_wait3A_59 = arith.constant 0 : i32
        %dma_wait3A_60 = arith.constant 0 : i32
        %dma_wait3A_61 = tpu.memref_slice %arg13[%dma_wait3A_59, %dma_wait3A_60] : memref<10240x128xf32, #tpu.memory_space<vmem_shared>> -> memref<10240x128xf32, #tpu.memory_space<vmem_shared>>
        tpu.wait_indirect_dma semaphore(%run_scoped3A_49 : memref<!tpu.dma_semaphore, #tpu.memory_space<semaphore_mem>>) src(%arg9 : memref<80x128xf32, #tpu.memory_space<vmem>>) dst(%dma_wait3A_61 : memref<10240x128xf32, #tpu.memory_space<vmem_shared>>)
        tpu.yield
      }) : () -> ()
      %add3A_34 = arith.constant 2 : i32
      %add3A_35 = arith.addi %mul3A_21, %add3A_34 : i32
      %mul3A_36 = arith.constant 80 : i32
      %mul3A_37 = arith.muli %add3A_35, %mul3A_36 : i32
      %dma_start3A_38 = tpu.memref_slice %arg7[%mul3A_37] : memref<10000xi32, #tpu.memory_space<vmem>> -> memref<80xi32, #tpu.memory_space<vmem>>
      %dma_start3A_39 = arith.constant 0 : i32
      %dma_start3A_40 = arith.constant 0 : i32
      %dma_start3A_41 = tpu.memref_slice %arg2[%dma_start3A_39, %dma_start3A_40] : memref<10000x128xf32, #tpu.memory_space<hbm>> -> memref<10000x128xf32, #tpu.memory_space<hbm>>
      tpu.enqueue_indirect_dma source(%dma_start3A_41 : memref<10000x128xf32, #tpu.memory_space<hbm>>) target(%arg9 : memref<80x128xf32, #tpu.memory_space<vmem>>) offsets(%dma_start3A_38 : memref<80xi32, #tpu.memory_space<vmem>>) semaphore(%arg11 : memref<!tpu.dma_semaphore, #tpu.memory_space<semaphore_mem>>)
      %dma_wait3A_42 = arith.constant 0 : i32
      %dma_wait3A_43 = tpu.memref_slice %arg7[%dma_wait3A_42] : memref<10000xi32, #tpu.memory_space<vmem>> -> memref<80xi32, #tpu.memory_space<vmem>>
      %dma_wait3A_44 = arith.constant 0 : i32
      %dma_wait3A_45 = arith.constant 0 : i32
      %dma_wait3A_46 = tpu.memref_slice %arg2[%dma_wait3A_44, %dma_wait3A_45] : memref<10000x128xf32, #tpu.memory_space<hbm>> -> memref<10000x128xf32, #tpu.memory_space<hbm>>
      tpu.wait_indirect_dma semaphore(%arg12 : memref<!tpu.dma_semaphore, #tpu.memory_space<semaphore_mem>>) src(%dma_wait3A_46 : memref<10000x128xf32, #tpu.memory_space<hbm>>) dst(%arg10 : memref<80x128xf32, #tpu.memory_space<vmem>>)
      %add3A_47 = arith.constant 1 : i32
      %add3A_48 = arith.addi %mul3A_21, %add3A_47 : i32
      "tpu.region"() ({
        %run_scoped3A_49 = tpu.sem_alloc : memref<!tpu.dma_semaphore, #tpu.memory_space<semaphore_mem>>
        %dma_start3A_50 = arith.constant 0 : i32
        %dma_start3A_51 = tpu.memref_slice %arg8[%add3A_48, %dma_start3A_50] : memref<125x80xi32, #tpu.memory_space<vmem>> -> memref<1x80xi32, #tpu.memory_space<vmem>>
        %dma_start3A_52 = tpu.memref_squeeze %dma_start3A_51 : memref<1x80xi32, #tpu.memory_space<vmem>> -> memref<80xi32, #tpu.memory_space<vmem>>
        %dma_start3A_53 = arith.constant 0 : i32
        %dma_start3A_54 = arith.constant 0 : i32
        %dma_start3A_55 = tpu.memref_slice %arg13[%dma_start3A_53, %dma_start3A_54] : memref<10240x128xf32, #tpu.memory_space<vmem_shared>> -> memref<10240x128xf32, #tpu.memory_space<vmem_shared>>
        tpu.enqueue_indirect_dma source(%arg10 : memref<80x128xf32, #tpu.memory_space<vmem>>) target(%dma_start3A_55 : memref<10240x128xf32, #tpu.memory_space<vmem_shared>>) offsets(%dma_start3A_52 : memref<80xi32, #tpu.memory_space<vmem>>) semaphore(%run_scoped3A_49 : memref<!tpu.dma_semaphore, #tpu.memory_space<semaphore_mem>>) {add = true}
        %dma_wait3A_56 = arith.constant 0 : i32
        %dma_wait3A_57 = tpu.memref_slice %arg8[%add3A_48, %dma_wait3A_56] : memref<125x80xi32, #tpu.memory_space<vmem>> -> memref<1x80xi32, #tpu.memory_space<vmem>>
        %dma_wait3A_58 = tpu.memref_squeeze %dma_wait3A_57 : memref<1x80xi32, #tpu.memory_space<vmem>> -> memref<80xi32, #tpu.memory_space<vmem>>
        %dma_wait3A_59 = arith.constant 0 : i32
        %dma_wait3A_60 = arith.constant 0 : i32
        %dma_wait3A_61 = tpu.memref_slice %arg13[%dma_wait3A_59, %dma_wait3A_60] : memref<10240x128xf32, #tpu.memory_space<vmem_shared>> -> memref<10240x128xf32, #tpu.memory_space<vmem_shared>>
        tpu.wait_indirect_dma semaphore(%run_scoped3A_49 : memref<!tpu.dma_semaphore, #tpu.memory_space<semaphore_mem>>) src(%arg10 : memref<80x128xf32, #tpu.memory_space<vmem>>) dst(%dma_wait3A_61 : memref<10240x128xf32, #tpu.memory_space<vmem_shared>>)
        tpu.yield
      }) : () -> ()
    }
    %scan3A_9 = arith.constant 62 : i32
    %dma_wait3A = arith.constant 0 : i32
    %dma_wait3A_10 = tpu.memref_slice %arg7[%dma_wait3A] : memref<10000xi32, #tpu.memory_space<vmem>> -> memref<80xi32, #tpu.memory_space<vmem>>
    %dma_wait3A_11 = arith.constant 0 : i32
    %dma_wait3A_12 = arith.constant 0 : i32
    %dma_wait3A_13 = tpu.memref_slice %arg2[%dma_wait3A_11, %dma_wait3A_12] : memref<10000x128xf32, #tpu.memory_space<hbm>> -> memref<10000x128xf32, #tpu.memory_space<hbm>>
    tpu.wait_indirect_dma semaphore(%arg11 : memref<!tpu.dma_semaphore, #tpu.memory_space<semaphore_mem>>) src(%dma_wait3A_13 : memref<10000x128xf32, #tpu.memory_space<hbm>>) dst(%arg9 : memref<80x128xf32, #tpu.memory_space<vmem>>)
    %run_scoped3A = arith.constant 124 : i32
    "tpu.region"() ({
      %run_scoped3A_19 = tpu.sem_alloc : memref<!tpu.dma_semaphore, #tpu.memory_space<semaphore_mem>>
      %dma_start3A_20 = arith.constant 0 : i32
      %dma_start3A_21 = tpu.memref_slice %arg8[%run_scoped3A, %dma_start3A_20] : memref<125x80xi32, #tpu.memory_space<vmem>> -> memref<1x80xi32, #tpu.memory_space<vmem>>
      %dma_start3A_22 = tpu.memref_squeeze %dma_start3A_21 : memref<1x80xi32, #tpu.memory_space<vmem>> -> memref<80xi32, #tpu.memory_space<vmem>>
      %dma_start3A_23 = arith.constant 0 : i32
      %dma_start3A_24 = arith.constant 0 : i32
      %dma_start3A_25 = tpu.memref_slice %arg13[%dma_start3A_23, %dma_start3A_24] : memref<10240x128xf32, #tpu.memory_space<vmem_shared>> -> memref<10240x128xf32, #tpu.memory_space<vmem_shared>>
      tpu.enqueue_indirect_dma source(%arg9 : memref<80x128xf32, #tpu.memory_space<vmem>>) target(%dma_start3A_25 : memref<10240x128xf32, #tpu.memory_space<vmem_shared>>) offsets(%dma_start3A_22 : memref<80xi32, #tpu.memory_space<vmem>>) semaphore(%run_scoped3A_19 : memref<!tpu.dma_semaphore, #tpu.memory_space<semaphore_mem>>) {add = true}
      %dma_wait3A_26 = arith.constant 0 : i32
      %dma_wait3A_27 = tpu.memref_slice %arg8[%run_scoped3A, %dma_wait3A_26] : memref<125x80xi32, #tpu.memory_space<vmem>> -> memref<1x80xi32, #tpu.memory_space<vmem>>
      %dma_wait3A_28 = tpu.memref_squeeze %dma_wait3A_27 : memref<1x80xi32, #tpu.memory_space<vmem>> -> memref<80xi32, #tpu.memory_space<vmem>>
      %dma_wait3A_29 = arith.constant 0 : i32
      %dma_wait3A_30 = arith.constant 0 : i32
      %dma_wait3A_31 = tpu.memref_slice %arg13[%dma_wait3A_29, %dma_wait3A_30] : memref<10240x128xf32, #tpu.memory_space<vmem_shared>> -> memref<10240x128xf32, #tpu.memory_space<vmem_shared>>
      tpu.wait_indirect_dma semaphore(%run_scoped3A_19 : memref<!tpu.dma_semaphore, #tpu.memory_space<semaphore_mem>>) src(%arg9 : memref<80x128xf32, #tpu.memory_space<vmem>>) dst(%dma_wait3A_31 : memref<10240x128xf32, #tpu.memory_space<vmem_shared>>)
      tpu.yield
    }) : () -> ()
    %barrier3A_14 = arith.constant 0 : index
    tpu.barrier barrier_id(%barrier3A_14)
    %mul3A_15 = arith.constant 640 : i32
    %mul3A_16 = arith.muli %arg1, %mul3A_15 : i32
    %mul3A_17 = arith.constant 640 : i32
    %mul3A_18 = arith.muli %arg1, %mul3A_17 : i32
    "tpu.region"() ({
      %run_scoped3A_19 = tpu.sem_alloc : memref<!tpu.dma_semaphore, #tpu.memory_space<semaphore_mem>>
      %dma_start3A_20 = arith.constant 0 : i32
      %dma_start3A_21 = tpu.memref_slice %arg6[%arg0, %mul3A_18, %dma_start3A_20] : memref<2x10240x128xf32, #tpu.memory_space<hbm>> -> memref<1x640x128xf32, #tpu.memory_space<hbm>>
      %dma_start3A_22 = tpu.memref_squeeze %dma_start3A_21 : memref<1x640x128xf32, #tpu.memory_space<hbm>> -> memref<640x128xf32, #tpu.memory_space<hbm>>
      %dma_start3A_23 = arith.constant 0 : i32
      %dma_start3A_24 = tpu.memref_slice %arg13[%mul3A_16, %dma_start3A_23] : memref<10240x128xf32, #tpu.memory_space<vmem_shared>> -> memref<640x128xf32, #tpu.memory_space<vmem_shared>>
      tpu.enqueue_dma source(%dma_start3A_24 : memref<640x128xf32, #tpu.memory_space<vmem_shared>>) target(%dma_start3A_22 : memref<640x128xf32, #tpu.memory_space<hbm>>) target_semaphore(%run_scoped3A_19 : memref<!tpu.dma_semaphore, #tpu.memory_space<semaphore_mem>>)
      %dma_wait3A_25 = arith.constant 0 : i32
      %dma_wait3A_26 = tpu.memref_slice %arg6[%arg0, %mul3A_18, %dma_wait3A_25] : memref<2x10240x128xf32, #tpu.memory_space<hbm>> -> memref<1x640x128xf32, #tpu.memory_space<hbm>>
      %dma_wait3A_27 = tpu.memref_squeeze %dma_wait3A_26 : memref<1x640x128xf32, #tpu.memory_space<hbm>> -> memref<640x128xf32, #tpu.memory_space<hbm>>
      %dma_wait3A_28 = arith.constant 0 : i32
      %dma_wait3A_29 = tpu.memref_slice %arg13[%mul3A_16, %dma_wait3A_28] : memref<10240x128xf32, #tpu.memory_space<vmem_shared>> -> memref<640x128xf32, #tpu.memory_space<vmem_shared>>
      tpu.wait_dma2 semaphore(%run_scoped3A_19 : memref<!tpu.dma_semaphore, #tpu.memory_space<semaphore_mem>>) src(%dma_wait3A_29 : memref<640x128xf32, #tpu.memory_space<vmem_shared>>) dst(%dma_wait3A_27 : memref<640x128xf32, #tpu.memory_space<hbm>>)
      tpu.yield
    }) : () -> ()
    return
  }
}

module attributes {stable_mosaic.version = 14 : i64} {
  func.func @_support1_body(%arg0: i32, %arg1: memref<1000x128xf32, #tpu.memory_space<vmem>>, %arg2: memref<128x128xf32, #tpu.memory_space<vmem>>, %arg3: memref<32x1000x2xi32, #tpu.memory_space<vmem>>, %arg4: memref<1000x128xf32, #tpu.memory_space<vmem>>, %arg5: memref<1000x2xi32, #tpu.memory_space<vmem>>) attributes {dimension_semantics = [#tpu.dimension_semantics<arbitrary>], iteration_bounds = array<i64: 10>, scalar_prefetch = 0 : i64, scratch_operands = 0 : i64, tpu.core_type = #tpu.core_type<tc>, window_params = [{transform_indices = @transform_0, window_bounds = array<i64: 1000, 128>}, {pipeline_mode = #tpu.pipeline_mode<synchronous>, transform_indices = @transform_1, window_bounds = array<i64: 128, 128>}, {transform_indices = @transform_2, window_bounds = array<i64: 32, 1000, 2>}, {transform_indices = @transform_3, window_bounds = array<i64: 1000, 128>}, {transform_indices = @transform_4, window_bounds = array<i64: 1000, 2>}]} {
    %get3A = arith.constant 0 : index
    %get3A_0 = arith.constant 0 : index
    %get3A_1 = arith.constant 0 : index
    %get3A_2 = vector.load %arg3[%get3A, %get3A_0, %get3A_1] : memref<32x1000x2xi32, #tpu.memory_space<vmem>>, vector<32x1000x2xi32>
    %reduce_sum3A = arith.constant dense<0> : vector<1000x2xi32>
    %reduce_sum3A_3 = vector.multi_reduction <add>, %get3A_2, %reduce_sum3A [0] : vector<32x1000x2xi32> to vector<1000x2xi32>
    %swap3A = arith.constant 0 : index
    %swap3A_4 = arith.constant 0 : index
    %swap3A_5 = vector.load %arg5[%swap3A, %swap3A_4] : memref<1000x2xi32, #tpu.memory_space<vmem>>, vector<1000x2xi32>
    tpu.vector_store %arg5[%swap3A, %swap3A_4], %reduce_sum3A_3 {strides = array<i32>} : memref<1000x2xi32, #tpu.memory_space<vmem>>, vector<1000x2xi32>,
    %slice3A = vector.extract_strided_slice %reduce_sum3A_3 {offsets = [0, 0], sizes = [1000, 1], strides = [1, 1]} : vector<1000x2xi32> to vector<1000x1xi32>
    %convert_element_type3A = arith.sitofp %slice3A : vector<1000x1xi32> to vector<1000x1xf32>
    %max3A = arith.constant 1.000000e+00 : f32
    %max3A_6 = vector.broadcast %max3A : f32 to vector<1000x1xf32>
    %max3A_7 = arith.maximumf %convert_element_type3A, %max3A_6 : vector<1000x1xf32>
    %rsqrt3A = math.rsqrt %max3A_7 : vector<1000x1xf32>
    %get3A_8 = arith.constant 0 : index
    %get3A_9 = arith.constant 0 : index
    %get3A_10 = vector.load %arg1[%get3A_8, %get3A_9] : memref<1000x128xf32, #tpu.memory_space<vmem>>, vector<1000x128xf32>
    %get3A_11 = arith.constant 0 : index
    %get3A_12 = arith.constant 0 : index
    %get3A_13 = vector.load %arg2[%get3A_11, %get3A_12] : memref<128x128xf32, #tpu.memory_space<vmem>>, vector<128x128xf32>
    %dot_general3A = arith.constant dense<0.000000e+00> : vector<1000x128xf32>
    %dot_general3A_14 = tpu.matmul %get3A_10, %get3A_13, %dot_general3A {dimension_numbers = #tpu.dot_dimension_numbers<[1], [0], [0], [1], [0, 0, 1, 1], [], []>, transpose_lhs_hint = false} : vector<1000x128xf32>, vector<128x128xf32>, vector<1000x128xf32> -> vector<1000x128xf32>
    %mul3A = vector.broadcast %rsqrt3A : vector<1000x1xf32> to vector<1000x128xf32>
    %mul3A_15 = arith.mulf %dot_general3A_14, %mul3A : vector<1000x128xf32>
    %swap3A_16 = arith.constant 0 : index
    %swap3A_17 = arith.constant 0 : index
    %swap3A_18 = vector.load %arg4[%swap3A_16, %swap3A_17] : memref<1000x128xf32, #tpu.memory_space<vmem>>, vector<1000x128xf32>
    tpu.vector_store %arg4[%swap3A_16, %swap3A_17], %mul3A_15 {strides = array<i32>} : memref<1000x128xf32, #tpu.memory_space<vmem>>, vector<1000x128xf32>,
    return
  }
  func.func @transform_0(%arg0: i32) -> (i32, i32) {
    %c0_i32 = arith.constant 0 : i32
    %c0_i32_0 = arith.constant 0 : i32
    return %arg0, %c0_i32 : i32, i32
  }
  func.func @transform_1(%arg0: i32) -> (i32, i32) {
    %c0_i32 = arith.constant 0 : i32
    %c0_i32_0 = arith.constant 0 : i32
    %c0_i32_1 = arith.constant 0 : i32
    return %c0_i32, %c0_i32_0 : i32, i32
  }
  func.func @transform_2(%arg0: i32) -> (i32, i32, i32) {
    %c0_i32 = arith.constant 0 : i32
    %c0_i32_0 = arith.constant 0 : i32
    %c0_i32_1 = arith.constant 0 : i32
    return %c0_i32, %arg0, %c0_i32_0 : i32, i32, i32
  }
  func.func @transform_3(%arg0: i32) -> (i32, i32) {
    %c0_i32 = arith.constant 0 : i32
    %c0_i32_0 = arith.constant 0 : i32
    return %arg0, %c0_i32 : i32, i32
  }
  func.func @transform_4(%arg0: i32) -> (i32, i32) {
    %c0_i32 = arith.constant 0 : i32
    %c0_i32_0 = arith.constant 0 : i32
    return %arg0, %c0_i32 : i32, i32
  }
}

module attributes {stable_mosaic.version = 14 : i64} {
  func.func @_layer2_body(%arg0: i32, %arg1: memref<2x1000x128xf32, #tpu.memory_space<vmem>>, %arg2: memref<1000x2xi32, #tpu.memory_space<vmem>>, %arg3: memref<1x128xf32, #tpu.memory_space<vmem>>, %arg4: memref<128x16xf32, #tpu.memory_space<vmem>>, %arg5: memref<1000x16xf32, #tpu.memory_space<vmem>>) attributes {dimension_semantics = [#tpu.dimension_semantics<arbitrary>], iteration_bounds = array<i64: 10>, scalar_prefetch = 0 : i64, scratch_operands = 0 : i64, tpu.core_type = #tpu.core_type<tc>, window_params = [{transform_indices = @transform_0, window_bounds = array<i64: 2, 1000, 128>}, {transform_indices = @transform_1, window_bounds = array<i64: 1000, 2>}, {pipeline_mode = #tpu.pipeline_mode<synchronous>, transform_indices = @transform_2, window_bounds = array<i64: 1, 128>}, {pipeline_mode = #tpu.pipeline_mode<synchronous>, transform_indices = @transform_3, window_bounds = array<i64: 128, 16>}, {transform_indices = @transform_4, window_bounds = array<i64: 1000, 16>}]} {
    %get3A = arith.constant 0 : index
    %get3A_0 = arith.constant 0 : index
    %get3A_1 = arith.constant 0 : index
    %get3A_2 = vector.load %arg1[%get3A, %get3A_0, %get3A_1] : memref<2x1000x128xf32, #tpu.memory_space<vmem>>, vector<1x1000x128xf32>
    %get3A_3 = vector.shape_cast %get3A_2 : vector<1x1000x128xf32> to vector<1000x128xf32>
    %get3A_4 = arith.constant 1 : index
    %get3A_5 = arith.constant 0 : index
    %get3A_6 = arith.constant 0 : index
    %get3A_7 = vector.load %arg1[%get3A_4, %get3A_5, %get3A_6] : memref<2x1000x128xf32, #tpu.memory_space<vmem>>, vector<1x1000x128xf32>
    %get3A_8 = vector.shape_cast %get3A_7 : vector<1x1000x128xf32> to vector<1000x128xf32>
    %add3A = arith.addf %get3A_3, %get3A_8 : vector<1000x128xf32>
    %get3A_9 = arith.constant 0 : index
    %get3A_10 = arith.constant 0 : index
    %get3A_11 = vector.load %arg2[%get3A_9, %get3A_10] : memref<1000x2xi32, #tpu.memory_space<vmem>>, vector<1000x2xi32>
    %convert_element_type3A = arith.sitofp %get3A_11 : vector<1000x2xi32> to vector<1000x2xf32>
    %slice3A = vector.extract_strided_slice %convert_element_type3A {offsets = [0, 1], sizes = [1000, 1], strides = [1, 1]} : vector<1000x2xf32> to vector<1000x1xf32>
    %max3A = arith.constant 1.000000e+00 : f32
    %max3A_12 = vector.broadcast %max3A : f32 to vector<1000x1xf32>
    %max3A_13 = arith.maximumf %slice3A, %max3A_12 : vector<1000x1xf32>
    %rsqrt3A = math.rsqrt %max3A_13 : vector<1000x1xf32>
    %mul3A = vector.broadcast %rsqrt3A : vector<1000x1xf32> to vector<1000x128xf32>
    %mul3A_14 = arith.mulf %add3A, %mul3A : vector<1000x128xf32>
    %get3A_15 = arith.constant 0 : index
    %get3A_16 = arith.constant 0 : index
    %get3A_17 = vector.load %arg3[%get3A_15, %get3A_16] : memref<1x128xf32, #tpu.memory_space<vmem>>, vector<1x128xf32>
    %add3A_18 = vector.broadcast %get3A_17 : vector<1x128xf32> to vector<1000x128xf32>
    %add3A_19 = arith.addf %mul3A_14, %add3A_18 : vector<1000x128xf32>
    %max3A_20 = arith.constant 0.000000e+00 : f32
    %max3A_21 = vector.broadcast %max3A_20 : f32 to vector<1000x128xf32>
    %max3A_22 = arith.maximumf %add3A_19, %max3A_21 : vector<1000x128xf32>
    %slice3A_23 = vector.extract_strided_slice %convert_element_type3A {offsets = [0, 0], sizes = [1000, 1], strides = [1, 1]} : vector<1000x2xf32> to vector<1000x1xf32>
    %max3A_24 = arith.constant 1.000000e+00 : f32
    %max3A_25 = vector.broadcast %max3A_24 : f32 to vector<1000x1xf32>
    %max3A_26 = arith.maximumf %slice3A_23, %max3A_25 : vector<1000x1xf32>
    %rsqrt3A_27 = math.rsqrt %max3A_26 : vector<1000x1xf32>
    %get3A_28 = arith.constant 0 : index
    %get3A_29 = arith.constant 0 : index
    %get3A_30 = vector.load %arg4[%get3A_28, %get3A_29] : memref<128x16xf32, #tpu.memory_space<vmem>>, vector<128x16xf32>
    %dot_general3A = arith.constant dense<0.000000e+00> : vector<1000x16xf32>
    %dot_general3A_31 = tpu.matmul %max3A_22, %get3A_30, %dot_general3A {dimension_numbers = #tpu.dot_dimension_numbers<[1], [0], [0], [1], [0, 0, 1, 1], [], []>, transpose_lhs_hint = false} : vector<1000x128xf32>, vector<128x16xf32>, vector<1000x16xf32> -> vector<1000x16xf32>
    %mul3A_32 = vector.broadcast %rsqrt3A_27 : vector<1000x1xf32> to vector<1000x16xf32>
    %mul3A_33 = arith.mulf %dot_general3A_31, %mul3A_32 : vector<1000x16xf32>
    %swap3A = arith.constant 0 : index
    %swap3A_34 = arith.constant 0 : index
    %swap3A_35 = vector.load %arg5[%swap3A, %swap3A_34] : memref<1000x16xf32, #tpu.memory_space<vmem>>, vector<1000x16xf32>
    tpu.vector_store %arg5[%swap3A, %swap3A_34], %mul3A_33 {strides = array<i32>} : memref<1000x16xf32, #tpu.memory_space<vmem>>, vector<1000x16xf32>,
    return
  }
  func.func @transform_0(%arg0: i32) -> (i32, i32, i32) {
    %c0_i32 = arith.constant 0 : i32
    %c0_i32_0 = arith.constant 0 : i32
    %c0_i32_1 = arith.constant 0 : i32
    return %c0_i32, %arg0, %c0_i32_0 : i32, i32, i32
  }
  func.func @transform_1(%arg0: i32) -> (i32, i32) {
    %c0_i32 = arith.constant 0 : i32
    %c0_i32_0 = arith.constant 0 : i32
    return %arg0, %c0_i32 : i32, i32
  }
  func.func @transform_2(%arg0: i32) -> (i32, i32) {
    %c0_i32 = arith.constant 0 : i32
    %c0_i32_0 = arith.constant 0 : i32
    %c0_i32_1 = arith.constant 0 : i32
    return %c0_i32, %c0_i32_0 : i32, i32
  }
  func.func @transform_3(%arg0: i32) -> (i32, i32) {
    %c0_i32 = arith.constant 0 : i32
    %c0_i32_0 = arith.constant 0 : i32
    %c0_i32_1 = arith.constant 0 : i32
    return %c0_i32, %c0_i32_0 : i32, i32
  }
  func.func @transform_4(%arg0: i32) -> (i32, i32) {
    %c0_i32 = arith.constant 0 : i32
    %c0_i32_0 = arith.constant 0 : i32
    return %arg0, %c0_i32 : i32, i32
  }
}

module attributes {stable_mosaic.version = 14 : i64} {
  func.func @_final_body(%arg0: i32, %arg1: memref<2x1000x16xf32, #tpu.memory_space<vmem>>, %arg2: memref<1000x2xi32, #tpu.memory_space<vmem>>, %arg3: memref<1x16xf32, #tpu.memory_space<vmem>>, %arg4: memref<1000x16xf32, #tpu.memory_space<vmem>>) attributes {dimension_semantics = [#tpu.dimension_semantics<arbitrary>], iteration_bounds = array<i64: 10>, scalar_prefetch = 0 : i64, scratch_operands = 0 : i64, tpu.core_type = #tpu.core_type<tc>, window_params = [{transform_indices = @transform_0, window_bounds = array<i64: 2, 1000, 16>}, {transform_indices = @transform_1, window_bounds = array<i64: 1000, 2>}, {pipeline_mode = #tpu.pipeline_mode<synchronous>, transform_indices = @transform_2, window_bounds = array<i64: 1, 16>}, {transform_indices = @transform_3, window_bounds = array<i64: 1000, 16>}]} {
    %get3A = arith.constant 0 : index
    %get3A_0 = arith.constant 0 : index
    %get3A_1 = vector.load %arg2[%get3A, %get3A_0] : memref<1000x2xi32, #tpu.memory_space<vmem>>, vector<1000x2xi32>
    %convert_element_type3A = arith.sitofp %get3A_1 : vector<1000x2xi32> to vector<1000x2xf32>
    %slice3A = vector.extract_strided_slice %convert_element_type3A {offsets = [0, 1], sizes = [1000, 1], strides = [1, 1]} : vector<1000x2xf32> to vector<1000x1xf32>
    %max3A = arith.constant 1.000000e+00 : f32
    %max3A_2 = vector.broadcast %max3A : f32 to vector<1000x1xf32>
    %max3A_3 = arith.maximumf %slice3A, %max3A_2 : vector<1000x1xf32>
    %rsqrt3A = math.rsqrt %max3A_3 : vector<1000x1xf32>
    %get3A_4 = arith.constant 0 : index
    %get3A_5 = arith.constant 0 : index
    %get3A_6 = arith.constant 0 : index
    %get3A_7 = vector.load %arg1[%get3A_4, %get3A_5, %get3A_6] : memref<2x1000x16xf32, #tpu.memory_space<vmem>>, vector<1x1000x16xf32>
    %get3A_8 = vector.shape_cast %get3A_7 : vector<1x1000x16xf32> to vector<1000x16xf32>
    %get3A_9 = arith.constant 1 : index
    %get3A_10 = arith.constant 0 : index
    %get3A_11 = arith.constant 0 : index
    %get3A_12 = vector.load %arg1[%get3A_9, %get3A_10, %get3A_11] : memref<2x1000x16xf32, #tpu.memory_space<vmem>>, vector<1x1000x16xf32>
    %get3A_13 = vector.shape_cast %get3A_12 : vector<1x1000x16xf32> to vector<1000x16xf32>
    %add3A = arith.addf %get3A_8, %get3A_13 : vector<1000x16xf32>
    %mul3A = vector.broadcast %rsqrt3A : vector<1000x1xf32> to vector<1000x16xf32>
    %mul3A_14 = arith.mulf %add3A, %mul3A : vector<1000x16xf32>
    %get3A_15 = arith.constant 0 : index
    %get3A_16 = arith.constant 0 : index
    %get3A_17 = vector.load %arg3[%get3A_15, %get3A_16] : memref<1x16xf32, #tpu.memory_space<vmem>>, vector<1x16xf32>
    %add3A_18 = vector.broadcast %get3A_17 : vector<1x16xf32> to vector<1000x16xf32>
    %add3A_19 = arith.addf %mul3A_14, %add3A_18 : vector<1000x16xf32>
    %reduce_max3A = arith.constant dense<0xFF800000> : vector<1000xf32>
    %reduce_max3A_20 = vector.multi_reduction <maximumf>, %add3A_19, %reduce_max3A [1] : vector<1000x16xf32> to vector<1000xf32>
    %broadcast_in_dim3A = vector.shape_cast %reduce_max3A_20 : vector<1000xf32> to vector<1000x1xf32>
    %sub3A = vector.broadcast %broadcast_in_dim3A : vector<1000x1xf32> to vector<1000x16xf32>
    %sub3A_21 = arith.subf %add3A_19, %sub3A : vector<1000x16xf32>
    %exp3A = math.exp %sub3A_21 : vector<1000x16xf32>
    %reduce_sum3A = arith.constant dense<0.000000e+00> : vector<1000xf32>
    %reduce_sum3A_22 = vector.multi_reduction <add>, %exp3A, %reduce_sum3A [1] : vector<1000x16xf32> to vector<1000xf32>
    %broadcast_in_dim3A_23 = vector.shape_cast %reduce_sum3A_22 : vector<1000xf32> to vector<1000x1xf32>
    %log3A = math.log %broadcast_in_dim3A_23 : vector<1000x1xf32>
    %add3A_24 = arith.addf %log3A, %broadcast_in_dim3A : vector<1000x1xf32>
    %sub3A_25 = vector.broadcast %add3A_24 : vector<1000x1xf32> to vector<1000x16xf32>
    %sub3A_26 = arith.subf %add3A_19, %sub3A_25 : vector<1000x16xf32>
    %swap3A = arith.constant 0 : index
    %swap3A_27 = arith.constant 0 : index
    %swap3A_28 = vector.load %arg4[%swap3A, %swap3A_27] : memref<1000x16xf32, #tpu.memory_space<vmem>>, vector<1000x16xf32>
    tpu.vector_store %arg4[%swap3A, %swap3A_27], %sub3A_26 {strides = array<i32>} : memref<1000x16xf32, #tpu.memory_space<vmem>>, vector<1000x16xf32>,
    return
  }
  func.func @transform_0(%arg0: i32) -> (i32, i32, i32) {
    %c0_i32 = arith.constant 0 : i32
    %c0_i32_0 = arith.constant 0 : i32
    %c0_i32_1 = arith.constant 0 : i32
    return %c0_i32, %arg0, %c0_i32_0 : i32, i32, i32
  }
  func.func @transform_1(%arg0: i32) -> (i32, i32) {
    %c0_i32 = arith.constant 0 : i32
    %c0_i32_0 = arith.constant 0 : i32
    return %arg0, %c0_i32 : i32, i32
  }
  func.func @transform_2(%arg0: i32) -> (i32, i32) {
    %c0_i32 = arith.constant 0 : i32
    %c0_i32_0 = arith.constant 0 : i32
    %c0_i32_1 = arith.constant 0 : i32
    return %c0_i32, %c0_i32_0 : i32, i32
  }
  func.func @transform_3(%arg0: i32) -> (i32, i32) {
    %c0_i32 = arith.constant 0 : i32
    %c0_i32_0 = arith.constant 0 : i32
    return %arg0, %c0_i32 : i32, i32
  }
}

</mosaic_0001>

<sc_bundles>
// kernel: kernel.11.cloned.1.call-start
scs
__scs_entry_jumppad:
0x0: {  	(pc) =	sbr.rel $0x88, $3  }
0x1: {  	(tag) =	ssettag $0x0;
	lr =	simm.s32 $0x1  }
0x2: {  	[smem:$0x3F9B] =	sst lr;
	_ =	strace $0xD0000000  }
0x3: {  	_ = 	snop  }
0x4: {  	_ = 	snop  }
0x5: {  	_ = 	snop  }
0x6: {  	_ = 	snop  }
0x7: {  	_ = 	snop  }
__scs_overlays_trampoline_lowered:
0x8: {  	[smem:$0x3FAA] =	sst s0  }
0x9: {  	[smem:$0x3FAB] =	sst s1  }
0xa: {  	[smem:$0x3FAC] =	sst s2  }
0xb: {  	[smem:$0x3FAD] =	sst s3  }
0xc: {  	[smem:$0x3FAE] =	sst s4  }
0xd: {  	[smem:$0x3FAF] =	sst s5  }
0xe: {  	[smem:$0x3FB0] =	sst s6  }
0xf: {  	[smem:$0x3FB1] =	sst s7  }
0x10: {  	[smem:$0x3FB2] =	sst s8  }
0x11: {  	[smem:$0x3FB3] =	sst s9;
	s0 =	simm.s32 @!p0 $0x0  }
0x12: {  	s1 =	sld [smem:$0x3F99];
	s0 =	simm.s32 @p0 $0x1  }
0x13: {  	[smem:$0x3FB4] =	sst s0;
	s0 =	simm.s32 @!p1 $0x0  }
0x14: {  	s2 =	sld [smem:$0x3F98];
	s0 =	simm.s32 @p1 $0x1  }
0x15: {  	[smem:$0x3FB5] =	sst s0;
	s0 =	simm.s32 @!p2 $0x0  }
0x16: {  	s3 =	sld [smem:$0x3FDB];
	s0 =	simm.s32 @p2 $0x1  }
0x17: {  	s4 =	simm.s32 $0x1BF5;
	[smem:$0x3FB7] =	sst s0  }
0x18: {  	s0 =	sld [smem:$0x3F9A];
	_ =	swait.ge [sflag:s4], $0x0  }
0x19: {  	s7 =	sld [smem:$0x3F9B]  }
0x1a: {  	s8 =	sadd.s32 $0xFFFFE003, lr  }
0x1b: {  	s9 =	sadd.s32 $0xFFFFFEF7, lr;
	s5 =	simm.s32 $0xFFFFFFFF;
	p2 =	slt.u32 s8, $0xFFFFF086  }
0x1c: {  	p1 =	slt.u32 s9, $0xF7A;
	s5 =	simm.s32 @!p2 $0x0  }
0x1d: {  	s5 =	simm.s32 @p1 $0x1;
	p0 =	seq.s32 s7, s2  }
0x1e: {  	s7 =	smul.u32 @!p0 $0xF7A, s2;
	p2 =	seq.s32 @!p0 s5, $0x0  }
0x1f: {  	s9 =	smul.u32 $0xF7A, s1;
	s8 =	simm.s32 @!p0 $0x1BF5;
	p2 =	por !p2, p0  }
0x20: {  	[sflag:s8] =	ssyncset.s32 @!p0 $0xFFFFF086;
	s6 =	sadd.s32 @!p0 s3, s7;
	s7 =	simm.s32 @!p0 $0x108  }
0x21: {  	s3 =	sadd.s32 s3, s9;
	s6 =	sadd.s32 @!p0 $0x88, s6;
	s7 =	simm.s32 @p2 $0x1082  }
0x22: {  	[simem:s7], [sflag:s8] =	dma.local @!p0 [hbm:s6], $0xF7A  }
0x23: {  	s9 =	sor.u32 $0xD0000000, s2;
	s6 =	simm.s32 $0x108;
	_ =	swait.ge @!p0 [sflag:s8], $0x0  }
0x24: {  	s3 =	sadd.s32 $0x88, s3;
	s6 =	simm.s32 @!p1 $0x1082;
	[sflag:s4] =	ssyncset.s32 $0xFFFFF086  }
0x25: {  	[simem:s6], [sflag:s4] =	dma.local [hbm:s3], $0xF7A  }
0x26: {  	[smem:$0x3F9B] =	sst s1;
	(tag) =	ssettag s2;
	_ =	strace s9  }
0x27: {  	s1 =	sld [smem:$0x3FAB]  }
0x28: {  	s2 =	sld [smem:$0x3FAC]  }
0x29: {  	s4 =	sld [smem:$0x3FAE]  }
0x2a: {  	p0 =	seq.s32 s5, $0x0;
	s5 =	sld [smem:$0x3FAF]  }
0x2b: {  	s6 =	sld [smem:$0x3FB0]  }
0x2c: {  	s7 =	sld [smem:$0x3FB1]  }
0x2d: {  	s3 =	simm.s32 $0x108;
	s8 =	sld [smem:$0x3FB2]  }
0x2e: {  	s3 =	simm.s32 @!p0 $0x1082;
	s9 =	sld [smem:$0x3FB3]  }
0x2f: {  	lr =	sadd.s32 s0, s3;
	s0 =	sld [smem:$0x3FAA]  }
0x30: {  	s3 =	sld [smem:$0x3FAD]  }
0x31: {  	[smem:$0x3FB6] =	sst s10  }
0x32: {  	s10 =	sld [smem:$0x3FB4];
	_ =	sdelay $0x3  }
0x33: {  	p0 =	seq.s32 s10, $0x1;
	s10 =	sld [smem:$0x3FB6];
	_ =	sdelay $0x3  }
0x34: {  	[smem:$0x3FB6] =	sst s10  }
0x35: {  	s10 =	sld [smem:$0x3FB5];
	_ =	sdelay $0x3  }
0x36: {  	p1 =	seq.s32 s10, $0x1;
	s10 =	sld [smem:$0x3FB6];
	_ =	sdelay $0x3  }
0x37: {  	[smem:$0x3FB6] =	sst s10  }
0x38: {  	s10 =	sld [smem:$0x3FB7]  }
0x39: {  	_ = 	snop;
	(pc) =	sbr.ind lr, $3  }
0x3a: {  	_ = 	snop  }
0x3b: {  	_ = 	snop  }
0x3c: {  	p2 =	seq.s32 s10, $0x1;
	s10 =	sld [smem:$0x3FB6]  }
0x3d: {  	_ =	shalt  }
0x3e: {  	_ =	shalt  }
0x3f: {  	_ =	shalt  }
0x40: {  	_ =	shalt  }
0x41: {  	_ =	shalt  }
0x42: {  	_ =	shalt  }
0x43: {  	_ =	shalt  }
0x44: {  	_ =	shalt  }
0x45: {  	_ =	shalt  }
0x46: {  	_ =	shalt  }
0x47: {  	_ =	shalt  }
0x48: {  	_ =	shalt  }
0x49: {  	_ =	shalt  }
0x4a: {  	_ =	shalt  }
0x4b: {  	_ =	shalt  }
0x4c: {  	_ =	shalt  }
0x4d: {  	_ =	shalt  }
0x4e: {  	_ =	shalt  }
0x4f: {  	_ =	shalt  }
0x50: {  	_ =	shalt  }
0x51: {  	_ =	shalt  }
0x52: {  	_ =	shalt  }
0x53: {  	_ =	shalt  }
0x54: {  	_ =	shalt  }
0x55: {  	_ =	shalt  }
0x56: {  	_ =	shalt  }
0x57: {  	_ =	shalt  }
0x58: {  	_ =	shalt  }
0x59: {  	_ =	shalt  }
0x5a: {  	_ =	shalt  }
0x5b: {  	_ =	shalt  }
0x5c: {  	_ =	shalt  }
0x5d: {  	_ =	shalt  }
0x5e: {  	_ =	shalt  }
0x5f: {  	_ =	shalt  }
0x60: {  	_ =	shalt  }
0x61: {  	_ =	shalt  }
0x62: {  	_ =	shalt  }
0x63: {  	_ =	shalt  }
0x64: {  	_ =	shalt  }
0x65: {  	_ =	shalt  }
0x66: {  	_ =	shalt  }
0x67: {  	_ =	shalt  }
0x68: {  	_ =	shalt  }
0x69: {  	_ =	shalt  }
0x6a: {  	_ =	shalt  }
0x6b: {  	_ =	shalt  }
0x6c: {  	_ =	shalt  }
0x6d: {  	_ =	shalt  }
0x6e: {  	_ =	shalt  }
0x6f: {  	_ =	shalt  }
0x70: {  	_ =	shalt  }
0x71: {  	_ =	shalt  }
0x72: {  	_ =	shalt  }
0x73: {  	_ =	shalt  }
0x74: {  	_ =	shalt  }
0x75: {  	_ =	shalt  }
0x76: {  	_ =	shalt  }
0x77: {  	_ =	shalt  }
0x78: {  	_ =	shalt  }
0x79: {  	_ =	shalt  }
0x7a: {  	_ =	shalt  }
0x7b: {  	_ =	shalt  }
0x7c: {  	_ =	shalt  }
0x7d: {  	_ =	shalt  }
0x7e: {  	_ =	shalt  }
0x7f: {  	_ =	shalt  }
0x80: {  	_ =	shalt  }
0x81: {  	_ =	shalt  }
0x82: {  	_ =	shalt  }
0x83: {  	_ =	shalt  }
0x84: {  	_ =	shalt  }
0x85: {  	_ =	shalt  }
0x86: {  	_ =	shalt  }
0x87: {  	_ =	shalt  }
.Lfunc_end0:
.L_simem_size_0:
called_computation.1_lowered:
.L_overlay_start_0:
0x88: {  	s2 =	sld [smem:$0x3FD9]  }
0x89: {  	s3 =	sld [smem:$0x3FFE];
	_ =	sdelay $0x1  }
0x8a: {  	s1 =	srdreg.scid  }
0x8b: {  	s0 =	sand.u32 $0x1, s1  }
0x8c: {  	s17 =	sshll.u32 s0, $0xA;
	s2 =	sadd.s32 s3, s2  }
0x8d: {  	s2 =	sadd.s32 s2, s17  }
0x8e: {  	[smem:$0x3FC2] =	sst s2  }
0x8f: {  	_ = 	snop  }
0x90: {  	s2 =	sld [smem:$0x3FD0];
	(tm) =	ssettm $0x1  }
0x91: {  	s18 =	sld [smem:$0x3FFB];
	_ =	sdelay $0x3  }
0x92: {  	_ =	strace s18  }
0x93: {  	s3 =	sld [smem:$0x3FFC];
	_ =	sdelay $0x3  }
0x94: {  	_ =	strace s3  }
0x95: {  	s3 =	sld [smem:$0x3FFD];
	_ =	sdelay $0x3  }
0x96: {  	_ =	strace s3  }
0x97: {  	_ =	strace $0x8FFFFFFF  }
0x98: {  	s19 =	sld [smem:$0x3FDB];
	_ =	sdelay $0x1  }
0x99: {  	s4 =	simm.s32 $_scs_section_size  }
0x9a: {  	s5 =	simm.s32 $_size__tile_overlayer_lowered;
	s6 =	simm.s32 $_tile_overlayer_lowered  }
0x9b: {  	s22 =	simm.s32 $0x1BFF;
	s21 =	sshll.u32 s6, $0x1;
	s3 =	sadd.s32 s4, s19  }
0x9c: {  	s7 =	simm.s32 $0x0;
	s20 =	sshll.u32 s5, $0x1;
	s5 =	sadd.s32 s21, s3  }
0x9d: {  	[timem:s7], [sflag:s22] =	dma.local [hbm:s5], s20  }
0x9e: {  	_ =	swait.ge [sflag:s22], s20  }
0x9f: {  	s4 =	ssub.s32 $0x0, s20;
	[sflag:s22] =	ssyncset.done $0x0  }
0xa0: {  	[sflag:s22] =	ssyncadd.s32 s4;
	_ =	sdelay $0x1  }
0xa1: {  	s23 =	simm.s32 $0x1B8B  }
0xa2: {  	_ =	swait.ge [sflag:s23], $0x1  }
0xa3: {  	[sflag:s23] =	ssyncset.done $0x0  }
0xa4: {  	s25 =	simm.s32 $0x1B8E;
	s24 =	sld [smem:$0x3FFE];
	[sflag:s23] =	ssyncadd.s32 $0xFFFFFFFF  }
0xa5: {  	s26 =	simm.s32 $execute0_lowered;
	[smem:$0x3FD2] =	sst s25  }
0xa6: {  	s5 =	sshll.u32 s26, $0x1;
	_ =	strace $0x80000049;
	[dreg:$0x1] =	wrdreg $0xFFFFFFFF  }
0xa7: {  	s28 =	simm.s32 $_size_execute0_lowered;
	s3 =	sadd.s32 s3, s5;
	[dreg:$0x0] =	wrdreg $0x0  }
0xa8: {  	s5 =	sshll.u32 s28, $0x1;
	[dreg:$0x2] =	wrdreg s3  }
0xa9: {  	[dreg:$0x3] =	wrdreg s5  }
0xaa: {  	[dreg:$0x4] =	wrdreg $0xC0  }
0xab: {  	_ =	task [dreg:s7], $0x5FFFF  }
0xac: {  	[dreg:$0x1] =	wrdreg $0xFFFFFFFF  }
0xad: {  	[dreg:$0x0] =	wrdreg $0x60  }
0xae: {  	[dreg:$0x2] =	wrdreg s24  }
0xaf: {  	[dreg:$0x3] =	wrdreg s2  }
0xb0: {  	[dreg:$0x4] =	wrdreg $0xB7800  }
0xb1: {  	[dreg:$0x5] =	wrdreg $0x9  }
0xb2: {  	_ =	task.clear_ibuf [dreg:s7], $0x6FFFF;
	_ =	strace $0x90000049  }
0xb3: {  	s29 =	simm.s32 $0x9;
	_ =	strace $0x8000004B  }
0xb4: {  	_ =	swait.ge [sflag:s29], $0x1  }
0xb5: {  	[sflag:s29] =	ssyncadd.s32 $0xFFFFFFFF  }
0xb6: {  	_ =	strace $0x9000004B  }
0xb7: {  	_ =	sfence  }
0xb8: {  	s30 =	sld [smem:$0x0];
	_ =	sdelay $0x2  }
0xb9: {  	s31 =	sshll.u32 s1, $0xD;
	s1 =	sshrl.u32 s1, $0x2  }
0xba: {  	s3 =	sand.u32 $0x4000, s31;
	s1 =	sadd.s32 s1, s30  }
0xbb: {  	s0 =	sor.u32 s3, s0;
	s1 =	sshll.u32 s1, $0x11  }
0xbc: {  	s0 =	sor.u32 s1, s0  }
0xbd: {  	s0 =	sadd.s32 $0x8F2B, s0  }
0xbe: {  	[sflag:s0] =	ssyncadd.remote.s32 $0x1  }
0xbf: {  	_ =	sfence.sel $0xFFFF  }
0xc0: {  	[dreg:$0x0] =	wrdreg $0xFFFFFFFF;
	(pc) =	sbr.abs _section_cstart, $3  }
0xc1: {  	[dreg:$0x1] =	wrdreg $0xFFFFFFFF  }
0xc2: {  	_ =	task.clear_ibuf [dreg:s7], $0x2FFFF;
	_ =	strace $0x9FFFFFFF  }
0xc3: {  	(tm) =	ssettm $0x7FFFFFFF  }
tec
execute0_lowered:
.L_overlay_start_1:
0x0: {  	(tag) =	ssettag $0x1  }
0x1: {  	s6 =	rddreg [dreg:$0x0]  }
0x2: {  	s1 =	srdreg.scid;
	s2 =	rddreg [dreg:$0x1]  }
0x3: {  	s0 =	stileid.u32;
	s3 =	rddreg [dreg:$0x2]  }
0x4: {  	s4 =	simm.s32 $0x0;
	s15 =	simm.s32 $0x2780;
	s16 =	simm.s32 $0x50  }
0x5: {  	s17 =	simm.s32 $0x6780;
	s18 =	simm.s32 $0x8F80;
	s19 =	simm.s32 $0x1  }
0x6: {  	s20 =	simm.s32 $0x2;
	s21 =	simm.s32 $0x6580;
	s22 =	simm.s32 $0x0  }
0x7: {  	s7 =	sand.u32 $0x1, s1;
	s23 =	sshrl.u32 s0, $0x3;
	s10 =	smul.u32 $0x14000, s0  }
0x8: {  	s1 =	rddreg [dreg:$0x3];
	s9 =	sshll.u32 s0, $0x7;
	s12 =	smul.u32 $0x50000, s0  }
0x9: {  	[smem:$0x7FF] =	sst s4;
	s11 =	sshll.u32 s0, $0xB;
	s5 =	smul.u32 $0x27800, s7  }
0xa: {  	s30 =	sshll.u32 s0, $0x6;
	s8 =	smul.u32 $0x13C00, s23;
	s24 =	sand.u32 $0x380, s9  }
0xb: {  	s25 =	smul.u32 $0x140000, s7;
	_ =	strace $0x8000004A;
	s28 =	ssub.s32 $0x2, s7  }
0xc: {  	s11 =	sadd.s32 s11, s6;
	s31 =	sshll.u32 s7, $0xF;
	s13 =	sshrl.u32 s28, $0x1  }
0xd: {  	s29 =	sshrl.u32 s12, $0x2;
	s5 =	sadd.s32 s5, s8;
	s8 =	sadd.s32 s10, s25  }
0xe: {  	s10 =	ssub.s32 s28, s13;
	s12 =	sadd.s32 s29, s3;
	s13 =	simm.s32 $0x80  }
0xf: {  	s5 =	sor.u32 s24, s5;
	s8 =	sshrl.u32 s8, $0x3;
	s10 =	smax.u32 s10, $0x1  }
0x10: {  	s26 =	sshrl.u32 s5, $0x3;
	s5 =	sadd.s32 $0x4D000, s6;
	s14 =	sadd.s32 s8, s6  }
0x11: {  	s8 =	sadd.s32 s31, s11;
	s11 =	sshrl.u32 s12, $0x3;
	s12 =	simm.s32 $0x3  }
0x12: {  	s9 =	sadd.s32 s26, s6;
	s6 =	sor.u32 $0x1C03, s30;
	s8 =	sadd.s32 $0x3D000, s8  }
0x13: {  	s7 =	sadd.s32 $0x15A00, s9;
	s9 =	sadd.s32 $0x74200, s14;
	s14 =	simm.s32 $0x400  }
.LBB2_1:
0x14: {  	[spmem:s11], [sflag:s6] =	dma.local [hbm:s2], $0x2800  }
0x15: {  	_ =	swait.ge [sflag:s12], $0x2800  }
0x16: {  	[sflag:s12] =	ssyncset.done $0x0  }
0x17: {  	[sflag:s12] =	ssyncadd.s32 $0xFFFFD800  }
0x18: {  	[tilespmem:s4], [sflag:$0x3] =	stream.strided.gather [hbm4b:s7+s13], $0x2780, s14, s13, $0x38;
	[tilespmem:$0x1F780] =	vst v63  }
0x19: {  	_ =	swait.ge [sflag:s12], $0x2780  }
0x1a: {  	[sflag:s12] =	ssyncset.done $0x0  }
0x1b: {  	[sflag:s12] =	ssyncadd.s32 $0xFFFFD880  }
0x1c: {  	[tilespmem:s15], [sflag:$0x3] =	stream.linear.gather [hbm4b:s8+s4], $0x3E80, $0x38;
	[tilespmem:$0x1F780] =	vst v63  }
0x1d: {  	_ =	swait.ge [sflag:s12], $0x3E80  }
0x1e: {  	[sflag:s12] =	ssyncset.done $0x0  }
0x1f: {  	[sflag:s12] =	ssyncadd.s32 $0xFFFFC180  }
0x20: {  	[bflag:$0x0] =	sbarrier.arrive $0xFFFF  }
0x21: {  	[tilespmem:s17], [sflag:$0x1] =	stream.indirect.gather [hbm4b:s5+s16], $0x80, s4, s16, $0xb8;
	[tilespmem:$0x1F780] =	vst v63  }
0x22: {  	s23 =	simm.s32 $0x50  }
0x23: {  	[tilespmem:s18], [sflag:$0x2] =	stream.indirect.gather [hbm4b:s5+s16], $0x80, s23, s16, $0xb8;
	[tilespmem:$0x1F780] =	vst v63  }
0x24: {  	_ =	swait.ge [sflag:s19], $0x2800  }
0x25: {  	[sflag:s19] =	ssyncset.done $0x0  }
0x26: {  	s29 =	simm.s32 $0x2780;
	[sflag:s19] =	ssyncadd.s32 $0xFFFFD800  }
0x27: {  	[spmem:s3] =	stream.indirect.scatter.add.f32 [tilespmem:s17], [sflag:$0x3], $0x80, s29, s16, $0xb8;
	[tilespmem:$0x1F780] =	vst v63  }
0x28: {  	_ =	swait.ge [sflag:s12], $0x2800  }
0x29: {  	[sflag:s12] =	ssyncset.done $0x0  }
0x2a: {  	s30 =	simm.s32 $0xA0;
	[sflag:s12] =	ssyncadd.s32 $0xFFFFD800  }
0x2b: {  	[tilespmem:s17], [sflag:$0x1] =	stream.indirect.gather [hbm4b:s5+s16], $0x80, s30, s16, $0xb8;
	[tilespmem:$0x1F780] =	vst v63  }
0x2c: {  	_ =	swait.ge [sflag:s20], $0x2800  }
0x2d: {  	[sflag:s20] =	ssyncset.done $0x0  }
0x2e: {  	s31 =	simm.s32 $0x2800;
	[sflag:s20] =	ssyncadd.s32 $0xFFFFD800  }
0x2f: {  	[spmem:s3] =	stream.indirect.scatter.add.f32 [tilespmem:s18], [sflag:$0x3], $0x80, s31, s16, $0xb8;
	[tilespmem:$0x1F780] =	vst v63  }
0x30: {  	s24 =	simm.s32 $0x400;
	_ =	swait.ge [sflag:s12], $0x2800  }
0x31: {  	s25 =	simm.s32 $0x800;
	s23 =	simm.s32 $0x140;
	[sflag:s12] =	ssyncset.done $0x0  }
.LBB2_2:
0x32: {  	p0 =	sne.s32 s25, $0xF400;
	s26 =	sadd.s32 $0xFFFFFFB0, s23;
	[sflag:s12] =	ssyncadd.s32 $0xFFFFD800  }
0x33: {  	[tilespmem:s18], [sflag:$0x2] =	stream.indirect.gather [hbm4b:s5+s16], $0x80, s26, s16, $0xb8;
	[tilespmem:$0x1F780] =	vst v63  }
0x34: {  	s26 =	smov.u32 s25;
	s25 =	sadd.s32 $0x400, s25;
	_ =	swait.ge [sflag:s19], $0x2800  }
0x35: {  	s28 =	sshra.s32 s24, $0x2;
	s24 =	smov.u32 s26;
	[sflag:s19] =	ssyncset.done $0x0  }
0x36: {  	s26 =	sadd.s32 $0x2780, s28;
	[sflag:s19] =	ssyncadd.s32 $0xFFFFD800  }
0x37: {  	[spmem:s3] =	stream.indirect.scatter.add.f32 [tilespmem:s17], [sflag:$0x3], $0x80, s26, s16, $0xb8;
	[tilespmem:$0x1F780] =	vst v63  }
0x38: {  	_ =	swait.ge [sflag:s12], $0x2800  }
0x39: {  	[sflag:s12] =	ssyncset.done $0x0  }
0x3a: {  	[sflag:s12] =	ssyncadd.s32 $0xFFFFD800  }
0x3b: {  	[tilespmem:s17], [sflag:$0x1] =	stream.indirect.gather [hbm4b:s5+s16], $0x80, s23, s16, $0xb8;
	[tilespmem:$0x1F780] =	vst v63  }
0x3c: {  	_ =	swait.ge [sflag:s20], $0x2800  }
.Ltmp0:
0x3d: {  	[sflag:s20] =	ssyncset.done $0x0;
	(pc) =	sbr.rel @p0 .LBB2_2-.Ltmp0, $4  }
0x3e: {  	s26 =	sadd.s32 $0x2800, s28;
	[sflag:s20] =	ssyncadd.s32 $0xFFFFD800  }
0x3f: {  	[spmem:s3] =	stream.indirect.scatter.add.f32 [tilespmem:s18], [sflag:$0x3], $0x80, s26, s16, $0xb8;
	[tilespmem:$0x1F780] =	vst v63  }
0x40: {  	_ =	swait.ge [sflag:s12], $0x2800  }
0x41: {  	s23 =	sadd.s32 $0xA0, s23;
	[sflag:s12] =	ssyncset.done $0x0  }
0x42: {  	s25 =	sadd.s32 $0xFFFFFFB0, s23;
	[sflag:s12] =	ssyncadd.s32 $0xFFFFD800  }
0x43: {  	[tilespmem:s18], [sflag:$0x2] =	stream.indirect.gather [hbm4b:s5+s16], $0x80, s25, s16, $0xb8;
	[tilespmem:$0x1F780] =	vst v63  }
0x44: {  	_ =	swait.ge [sflag:s19], $0x2800  }
0x45: {  	s24 =	sshra.s32 s24, $0x2;
	[sflag:s19] =	ssyncset.done $0x0  }
0x46: {  	s30 =	sadd.s32 $0x2780, s24;
	[sflag:s19] =	ssyncadd.s32 $0xFFFFD800  }
0x47: {  	[spmem:s3] =	stream.indirect.scatter.add.f32 [tilespmem:s17], [sflag:$0x3], $0x80, s30, s16, $0xb8;
	[tilespmem:$0x1F780] =	vst v63  }
0x48: {  	_ =	swait.ge [sflag:s12], $0x2800  }
0x49: {  	[sflag:s12] =	ssyncset.done $0x0  }
0x4a: {  	[sflag:s12] =	ssyncadd.s32 $0xFFFFD800  }
0x4b: {  	[tilespmem:s17], [sflag:$0x1] =	stream.indirect.gather [hbm4b:s5+s16], $0x80, s23, s16, $0xb8;
	[tilespmem:$0x1F780] =	vst v63  }
0x4c: {  	_ =	swait.ge [sflag:s20], $0x2800  }
0x4d: {  	[sflag:s20] =	ssyncset.done $0x0  }
0x4e: {  	s31 =	sadd.s32 $0x2800, s24;
	[sflag:s20] =	ssyncadd.s32 $0xFFFFD800  }
0x4f: {  	[spmem:s3] =	stream.indirect.scatter.add.f32 [tilespmem:s18], [sflag:$0x3], $0x80, s31, s16, $0xb8;
	[tilespmem:$0x1F780] =	vst v63  }
0x50: {  	_ =	swait.ge [sflag:s12], $0x2800  }
0x51: {  	[sflag:s12] =	ssyncset.done $0x0  }
0x52: {  	[sflag:s12] =	ssyncadd.s32 $0xFFFFD800  }
0x53: {  	_ =	swait.ge [sflag:s19], $0x2800  }
0x54: {  	[sflag:s19] =	ssyncset.done $0x0  }
0x55: {  	[sflag:s19] =	ssyncadd.s32 $0xFFFFD800  }
0x56: {  	[spmem:s3] =	stream.indirect.scatter.add.f32 [tilespmem:s17], [sflag:$0x3], $0x80, s21, s16, $0xb8;
	[tilespmem:$0x1F780] =	vst v63  }
0x57: {  	_ =	swait.ge [sflag:s12], $0x2800  }
0x58: {  	s22 =	sadd.s32 $0x1, s22;
	[sflag:s12] =	ssyncset.done $0x0  }
0x59: {  	p0 =	sne.s32 s22, s10;
	[sflag:s12] =	ssyncadd.s32 $0xFFFFD800  }
.Ltmp1:
0x5a: {  	[bflag:$0x0] =	sbarrier.arrive $0xFFFF;
	(pc) =	sbr.rel @p0 .LBB2_1-.Ltmp1, $4  }
0x5b: {  	[hbm:s9], [sflag:s6] =	dma.local [spmem:s11], $0x2800  }
0x5c: {  	_ =	swait.ge [sflag:s12], $0x2800  }
0x5d: {  	[sflag:s12] =	ssyncset.done $0x0  }
0x5e: {  	[sflag:s12] =	ssyncadd.s32 $0xFFFFD800  }
0x5f: {  	_ =	sfence.sel $0x180000  }
0x60: {  	[bflag:$0x0] =	sbarrier.arrive $0xFFFF  }
0x61: {  	p0 =	sne.s32 s0, $0x0;
	_ =	strace $0x9000004A  }
0x62: {  	s0 =	sadd.s32 @!p0 $0x100000, s1;
	[bflag:$0x2] =	sbarrier.arrive $0xFFFF  }
0x63: {  	[sflag:s0] =	ssyncadd.tile.s32 @!p0 $0x1;
	_ =	shalt  }
.Lfunc_end2:
_tile_overlayer_lowered:
.L_overlay_start_2:
0x64: {  	(tag) =	ssettag $0x2  }
0x65: {  	s0 =	rddreg [dreg:$0x0];
	s2 =	stileid.u32  }
0x66: {  	s1 =	rddreg [dreg:$0x1];
	p0 =	sne.s32 s2, $0x0  }
0x67: {  	s3 =	rddreg [dreg:$0x2];
	[bflag:$0x3] =	sbarrier.arrive $0xFFFF;
	s2 =	simm.s32 @!p0 $0x1C03  }
0x68: {  	[timem:s3], [sflag:s2] =	dma.local @!p0 [hbm:s0], s1  }
0x69: {  	s0 =	simm.s32 @!p0 $0x3  }
0x6a: {  	_ =	swait.ge @!p0 [sflag:s0], s1  }
0x6b: {  	s1 =	ssub.s32 @!p0 $0x0, s1;
	[sflag:s0] =	ssyncset.done @!p0 $0x0  }
0x6c: {  	[sflag:s0] =	ssyncadd.s32 @!p0 s1  }
0x6d: {  	[bflag:$0x3] =	sbarrier.arrive $0xFFFF  }
0x6e: {  	_ =	shalt  }

// kernel: kernel.14.cloned.1.call-start
scs
__scs_entry_jumppad:
0x0: {  	(pc) =	sbr.rel $0x88, $3  }
0x1: {  	(tag) =	ssettag $0x0;
	lr =	simm.s32 $0x1  }
0x2: {  	[smem:$0x3F9B] =	sst lr;
	_ =	strace $0xD0000000  }
0x3: {  	_ = 	snop  }
0x4: {  	_ = 	snop  }
0x5: {  	_ = 	snop  }
0x6: {  	_ = 	snop  }
0x7: {  	_ = 	snop  }
__scs_overlays_trampoline_lowered:
0x8: {  	[smem:$0x3FAA] =	sst s0  }
0x9: {  	[smem:$0x3FAB] =	sst s1  }
0xa: {  	[smem:$0x3FAC] =	sst s2  }
0xb: {  	[smem:$0x3FAD] =	sst s3  }
0xc: {  	[smem:$0x3FAE] =	sst s4  }
0xd: {  	[smem:$0x3FAF] =	sst s5  }
0xe: {  	[smem:$0x3FB0] =	sst s6  }
0xf: {  	[smem:$0x3FB1] =	sst s7  }
0x10: {  	[smem:$0x3FB2] =	sst s8  }
0x11: {  	[smem:$0x3FB3] =	sst s9;
	s0 =	simm.s32 @!p0 $0x0  }
0x12: {  	s1 =	sld [smem:$0x3F99];
	s0 =	simm.s32 @p0 $0x1  }
0x13: {  	[smem:$0x3FB4] =	sst s0;
	s0 =	simm.s32 @!p1 $0x0  }
0x14: {  	s2 =	sld [smem:$0x3F98];
	s0 =	simm.s32 @p1 $0x1  }
0x15: {  	[smem:$0x3FB5] =	sst s0;
	s0 =	simm.s32 @!p2 $0x0  }
0x16: {  	s3 =	sld [smem:$0x3FDB];
	s0 =	simm.s32 @p2 $0x1  }
0x17: {  	s4 =	simm.s32 $0x1BF5;
	[smem:$0x3FB7] =	sst s0  }
0x18: {  	s0 =	sld [smem:$0x3F9A];
	_ =	swait.ge [sflag:s4], $0x0  }
0x19: {  	s7 =	sld [smem:$0x3F9B]  }
0x1a: {  	s8 =	sadd.s32 $0xFFFFE003, lr  }
0x1b: {  	s9 =	sadd.s32 $0xFFFFFEF7, lr;
	s5 =	simm.s32 $0xFFFFFFFF;
	p2 =	slt.u32 s8, $0xFFFFF086  }
0x1c: {  	p1 =	slt.u32 s9, $0xF7A;
	s5 =	simm.s32 @!p2 $0x0  }
0x1d: {  	s5 =	simm.s32 @p1 $0x1;
	p0 =	seq.s32 s7, s2  }
0x1e: {  	s7 =	smul.u32 @!p0 $0xF7A, s2;
	p2 =	seq.s32 @!p0 s5, $0x0  }
0x1f: {  	s9 =	smul.u32 $0xF7A, s1;
	s8 =	simm.s32 @!p0 $0x1BF5;
	p2 =	por !p2, p0  }
0x20: {  	[sflag:s8] =	ssyncset.s32 @!p0 $0xFFFFF086;
	s6 =	sadd.s32 @!p0 s3, s7;
	s7 =	simm.s32 @!p0 $0x108  }
0x21: {  	s3 =	sadd.s32 s3, s9;
	s6 =	sadd.s32 @!p0 $0x88, s6;
	s7 =	simm.s32 @p2 $0x1082  }
0x22: {  	[simem:s7], [sflag:s8] =	dma.local @!p0 [hbm:s6], $0xF7A  }
0x23: {  	s9 =	sor.u32 $0xD0000000, s2;
	s6 =	simm.s32 $0x108;
	_ =	swait.ge @!p0 [sflag:s8], $0x0  }
0x24: {  	s3 =	sadd.s32 $0x88, s3;
	s6 =	simm.s32 @!p1 $0x1082;
	[sflag:s4] =	ssyncset.s32 $0xFFFFF086  }
0x25: {  	[simem:s6], [sflag:s4] =	dma.local [hbm:s3], $0xF7A  }
0x26: {  	[smem:$0x3F9B] =	sst s1;
	(tag) =	ssettag s2;
	_ =	strace s9  }
0x27: {  	s1 =	sld [smem:$0x3FAB]  }
0x28: {  	s2 =	sld [smem:$0x3FAC]  }
0x29: {  	s4 =	sld [smem:$0x3FAE]  }
0x2a: {  	p0 =	seq.s32 s5, $0x0;
	s5 =	sld [smem:$0x3FAF]  }
0x2b: {  	s6 =	sld [smem:$0x3FB0]  }
0x2c: {  	s7 =	sld [smem:$0x3FB1]  }
0x2d: {  	s3 =	simm.s32 $0x108;
	s8 =	sld [smem:$0x3FB2]  }
0x2e: {  	s3 =	simm.s32 @!p0 $0x1082;
	s9 =	sld [smem:$0x3FB3]  }
0x2f: {  	lr =	sadd.s32 s0, s3;
	s0 =	sld [smem:$0x3FAA]  }
0x30: {  	s3 =	sld [smem:$0x3FAD]  }
0x31: {  	[smem:$0x3FB6] =	sst s10  }
0x32: {  	s10 =	sld [smem:$0x3FB4];
	_ =	sdelay $0x3  }
0x33: {  	p0 =	seq.s32 s10, $0x1;
	s10 =	sld [smem:$0x3FB6];
	_ =	sdelay $0x3  }
0x34: {  	[smem:$0x3FB6] =	sst s10  }
0x35: {  	s10 =	sld [smem:$0x3FB5];
	_ =	sdelay $0x3  }
0x36: {  	p1 =	seq.s32 s10, $0x1;
	s10 =	sld [smem:$0x3FB6];
	_ =	sdelay $0x3  }
0x37: {  	[smem:$0x3FB6] =	sst s10  }
0x38: {  	s10 =	sld [smem:$0x3FB7]  }
0x39: {  	_ = 	snop;
	(pc) =	sbr.ind lr, $3  }
0x3a: {  	_ = 	snop  }
0x3b: {  	_ = 	snop  }
0x3c: {  	p2 =	seq.s32 s10, $0x1;
	s10 =	sld [smem:$0x3FB6]  }
0x3d: {  	_ =	shalt  }
0x3e: {  	_ =	shalt  }
0x3f: {  	_ =	shalt  }
0x40: {  	_ =	shalt  }
0x41: {  	_ =	shalt  }
0x42: {  	_ =	shalt  }
0x43: {  	_ =	shalt  }
0x44: {  	_ =	shalt  }
0x45: {  	_ =	shalt  }
0x46: {  	_ =	shalt  }
0x47: {  	_ =	shalt  }
0x48: {  	_ =	shalt  }
0x49: {  	_ =	shalt  }
0x4a: {  	_ =	shalt  }
0x4b: {  	_ =	shalt  }
0x4c: {  	_ =	shalt  }
0x4d: {  	_ =	shalt  }
0x4e: {  	_ =	shalt  }
0x4f: {  	_ =	shalt  }
0x50: {  	_ =	shalt  }
0x51: {  	_ =	shalt  }
0x52: {  	_ =	shalt  }
0x53: {  	_ =	shalt  }
0x54: {  	_ =	shalt  }
0x55: {  	_ =	shalt  }
0x56: {  	_ =	shalt  }
0x57: {  	_ =	shalt  }
0x58: {  	_ =	shalt  }
0x59: {  	_ =	shalt  }
0x5a: {  	_ =	shalt  }
0x5b: {  	_ =	shalt  }
0x5c: {  	_ =	shalt  }
0x5d: {  	_ =	shalt  }
0x5e: {  	_ =	shalt  }
0x5f: {  	_ =	shalt  }
0x60: {  	_ =	shalt  }
0x61: {  	_ =	shalt  }
0x62: {  	_ =	shalt  }
0x63: {  	_ =	shalt  }
0x64: {  	_ =	shalt  }
0x65: {  	_ =	shalt  }
0x66: {  	_ =	shalt  }
0x67: {  	_ =	shalt  }
0x68: {  	_ =	shalt  }
0x69: {  	_ =	shalt  }
0x6a: {  	_ =	shalt  }
0x6b: {  	_ =	shalt  }
0x6c: {  	_ =	shalt  }
0x6d: {  	_ =	shalt  }
0x6e: {  	_ =	shalt  }
0x6f: {  	_ =	shalt  }
0x70: {  	_ =	shalt  }
0x71: {  	_ =	shalt  }
0x72: {  	_ =	shalt  }
0x73: {  	_ =	shalt  }
0x74: {  	_ =	shalt  }
0x75: {  	_ =	shalt  }
0x76: {  	_ =	shalt  }
0x77: {  	_ =	shalt  }
0x78: {  	_ =	shalt  }
0x79: {  	_ =	shalt  }
0x7a: {  	_ =	shalt  }
0x7b: {  	_ =	shalt  }
0x7c: {  	_ =	shalt  }
0x7d: {  	_ =	shalt  }
0x7e: {  	_ =	shalt  }
0x7f: {  	_ =	shalt  }
0x80: {  	_ =	shalt  }
0x81: {  	_ =	shalt  }
0x82: {  	_ =	shalt  }
0x83: {  	_ =	shalt  }
0x84: {  	_ =	shalt  }
0x85: {  	_ =	shalt  }
0x86: {  	_ =	shalt  }
0x87: {  	_ =	shalt  }
.Lfunc_end0:
.L_simem_size_0:
called_computation.2_lowered:
.L_overlay_start_0:
0x88: {  	s2 =	sld [smem:$0x3FD9]  }
0x89: {  	s3 =	sld [smem:$0x3FFE];
	_ =	sdelay $0x1  }
0x8a: {  	s1 =	srdreg.scid  }
0x8b: {  	s0 =	sand.u32 $0x1, s1  }
0x8c: {  	s17 =	sshll.u32 s0, $0xA;
	s2 =	sadd.s32 s3, s2  }
0x8d: {  	s2 =	sadd.s32 s2, s17  }
0x8e: {  	[smem:$0x3FC2] =	sst s2  }
0x8f: {  	_ = 	snop  }
0x90: {  	s2 =	sld [smem:$0x3FD0];
	(tm) =	ssettm $0x1  }
0x91: {  	s18 =	sld [smem:$0x3FFB];
	_ =	sdelay $0x3  }
0x92: {  	_ =	strace s18  }
0x93: {  	s3 =	sld [smem:$0x3FFC];
	_ =	sdelay $0x3  }
0x94: {  	_ =	strace s3  }
0x95: {  	s3 =	sld [smem:$0x3FFD];
	_ =	sdelay $0x3  }
0x96: {  	_ =	strace s3  }
0x97: {  	_ =	strace $0x8FFFFFFF  }
0x98: {  	s19 =	sld [smem:$0x3FDB];
	_ =	sdelay $0x1  }
0x99: {  	s4 =	simm.s32 $_scs_section_size  }
0x9a: {  	s5 =	simm.s32 $_size__tile_overlayer_lowered;
	s6 =	simm.s32 $_tile_overlayer_lowered  }
0x9b: {  	s22 =	simm.s32 $0x1BFF;
	s21 =	sshll.u32 s6, $0x1;
	s3 =	sadd.s32 s4, s19  }
0x9c: {  	s7 =	simm.s32 $0x0;
	s20 =	sshll.u32 s5, $0x1;
	s5 =	sadd.s32 s21, s3  }
0x9d: {  	[timem:s7], [sflag:s22] =	dma.local [hbm:s5], s20  }
0x9e: {  	_ =	swait.ge [sflag:s22], s20  }
0x9f: {  	s4 =	ssub.s32 $0x0, s20;
	[sflag:s22] =	ssyncset.done $0x0  }
0xa0: {  	[sflag:s22] =	ssyncadd.s32 s4;
	_ =	sdelay $0x1  }
0xa1: {  	s23 =	simm.s32 $0x1B8B  }
0xa2: {  	_ =	swait.ge [sflag:s23], $0x1  }
0xa3: {  	[sflag:s23] =	ssyncset.done $0x0  }
0xa4: {  	s25 =	simm.s32 $0x1B8E;
	s24 =	sld [smem:$0x3FFE];
	[sflag:s23] =	ssyncadd.s32 $0xFFFFFFFF  }
0xa5: {  	s26 =	simm.s32 $execute0_lowered;
	[smem:$0x3FD2] =	sst s25  }
0xa6: {  	s5 =	sshll.u32 s26, $0x1;
	_ =	strace $0x8000004C;
	[dreg:$0x1] =	wrdreg $0xFFFFFFFF  }
0xa7: {  	s28 =	simm.s32 $_size_execute0_lowered;
	s3 =	sadd.s32 s3, s5;
	[dreg:$0x0] =	wrdreg $0x0  }
0xa8: {  	s5 =	sshll.u32 s28, $0x1;
	[dreg:$0x2] =	wrdreg s3  }
0xa9: {  	[dreg:$0x3] =	wrdreg s5  }
0xaa: {  	[dreg:$0x4] =	wrdreg $0xC0  }
0xab: {  	_ =	task [dreg:s7], $0x5FFFF  }
0xac: {  	[dreg:$0x1] =	wrdreg $0xFFFFFFFF  }
0xad: {  	[dreg:$0x0] =	wrdreg $0x60  }
0xae: {  	[dreg:$0x2] =	wrdreg s2  }
0xaf: {  	[dreg:$0x3] =	wrdreg s24  }
0xb0: {  	[dreg:$0x4] =	wrdreg $0x58200  }
0xb1: {  	[dreg:$0x5] =	wrdreg $0x9  }
0xb2: {  	_ =	task.clear_ibuf [dreg:s7], $0x6FFFF;
	_ =	strace $0x9000004C  }
0xb3: {  	s29 =	simm.s32 $0x9;
	_ =	strace $0x8000004E  }
0xb4: {  	_ =	swait.ge [sflag:s29], $0x1  }
0xb5: {  	[sflag:s29] =	ssyncadd.s32 $0xFFFFFFFF  }
0xb6: {  	_ =	strace $0x9000004E  }
0xb7: {  	_ =	sfence  }
0xb8: {  	s30 =	sld [smem:$0x0];
	_ =	sdelay $0x2  }
0xb9: {  	s31 =	sshll.u32 s1, $0xD;
	s1 =	sshrl.u32 s1, $0x2  }
0xba: {  	s3 =	sand.u32 $0x4000, s31;
	s1 =	sadd.s32 s1, s30  }
0xbb: {  	s0 =	sor.u32 s3, s0;
	s1 =	sshll.u32 s1, $0x11  }
0xbc: {  	s0 =	sor.u32 s1, s0  }
0xbd: {  	s0 =	sadd.s32 $0x8F2B, s0  }
0xbe: {  	[sflag:s0] =	ssyncadd.remote.s32 $0x1  }
0xbf: {  	_ =	sfence.sel $0xFFFF  }
0xc0: {  	[dreg:$0x0] =	wrdreg $0xFFFFFFFF;
	(pc) =	sbr.abs _section_cstart, $3  }
0xc1: {  	[dreg:$0x1] =	wrdreg $0xFFFFFFFF  }
0xc2: {  	_ =	task.clear_ibuf [dreg:s7], $0x2FFFF;
	_ =	strace $0x9FFFFFFF  }
0xc3: {  	(tm) =	ssettm $0x7FFFFFFF  }
tec
execute0_lowered:
.L_overlay_start_1:
0x0: {  	(tag) =	ssettag $0x1  }
0x1: {  	s1 =	rddreg [dreg:$0x0]  }
0x2: {  	s7 =	rddreg [dreg:$0x1]  }
0x3: {  	s3 =	rddreg [dreg:$0x2]  }
0x4: {  	s0 =	srdreg.scid;
	s2 =	rddreg [dreg:$0x3]  }
0x5: {  	s4 =	simm.s32 $0x0;
	s14 =	simm.s32 $0x50;
	s5 =	sand.u32 $0x1, s0  }
0x6: {  	s15 =	simm.s32 $0x4E20;
	s0 =	stileid.u32;
	s6 =	smul.u32 $0x27100, s5  }
0x7: {  	s16 =	simm.s32 $0x5320;
	s17 =	simm.s32 $0x1;
	s8 =	smul.u32 $0x2710, s0  }
0x8: {  	s18 =	simm.s32 $0x2;
	s19 =	simm.s32 $0x4DD0;
	s9 =	smul.u32 $0x2800, s0  }
0x9: {  	s20 =	simm.s32 $0x0;
	[smem:$0x7FF] =	sst s4;
	s10 =	smul.u32 $0x28000, s5  }
0xa: {  	_ =	strace $0x8000004D;
	s29 =	ssub.s32 $0x2, s5;
	s5 =	sadd.s32 $0x15A00, s7  }
0xb: {  	s31 =	sshll.u32 s0, $0x6;
	s30 =	sshrl.u32 s29, $0x1;
	s6 =	sadd.s32 s8, s6  }
0xc: {  	s25 =	sadd.s32 s9, s10;
	s12 =	ssub.s32 s29, s30;
	s13 =	sadd.s32 s9, s3  }
0xd: {  	s6 =	sshrl.u32 s6, $0x3;
	s28 =	sshrl.u32 s25, $0x3;
	s10 =	smax.u32 s12, $0x1  }
0xe: {  	s12 =	simm.s32 $0x3;
	s26 =	sadd.s32 s6, s7;
	s11 =	sadd.s32 s28, s7  }
0xf: {  	s6 =	sor.u32 $0x1C03, s31;
	s7 =	sadd.s32 $0x1E00, s26;
	s8 =	sadd.s32 $0xBC00, s26  }
0x10: {  	s9 =	sadd.s32 $0x16000, s11;
	s11 =	sshrl.u32 s13, $0x3;
	s13 =	simm.s32 $0x2710  }
.LBB2_1:
0x11: {  	[spmem:s11], [sflag:s6] =	dma.local [hbm:s5], $0x500  }
0x12: {  	_ =	swait.ge [sflag:s12], $0x500  }
0x13: {  	[sflag:s12] =	ssyncset.done $0x0  }
0x14: {  	[sflag:s12] =	ssyncadd.s32 $0xFFFFFB00  }
0x15: {  	[tilespmem:s4], [sflag:$0x3] =	stream.linear.gather [hbm4b:s7+s4], $0x2710, $0x38;
	[tilespmem:$0x8020] =	vst v63  }
0x16: {  	_ =	swait.ge [sflag:s12], $0x2710  }
0x17: {  	[sflag:s12] =	ssyncset.done $0x0  }
0x18: {  	[sflag:s12] =	ssyncadd.s32 $0xFFFFD8F0  }
0x19: {  	[tilespmem:s13], [sflag:$0x3] =	stream.linear.gather [hbm4b:s8+s4], $0x2710, $0x38;
	[tilespmem:$0x8020] =	vst v63  }
0x1a: {  	_ =	swait.ge [sflag:s12], $0x2710  }
0x1b: {  	[sflag:s12] =	ssyncset.done $0x0  }
0x1c: {  	[sflag:s12] =	ssyncadd.s32 $0xFFFFD8F0  }
0x1d: {  	[bflag:$0x0] =	sbarrier.arrive $0xFFFF  }
0x1e: {  	[tilespmem:s15], [sflag:$0x1] =	stream.indirect.gather [hbm4b:s1+s14], $0x10, s4, s14, $0xb8;
	[tilespmem:$0x8020] =	vst v63  }
0x1f: {  	s21 =	simm.s32 $0x50  }
0x20: {  	[tilespmem:s16], [sflag:$0x2] =	stream.indirect.gather [hbm4b:s1+s14], $0x10, s21, s14, $0xb8;
	[tilespmem:$0x8020] =	vst v63  }
0x21: {  	_ =	swait.ge [sflag:s17], $0x500  }
0x22: {  	[sflag:s17] =	ssyncset.done $0x0  }
0x23: {  	s29 =	simm.s32 $0x2710;
	[sflag:s17] =	ssyncadd.s32 $0xFFFFFB00  }
0x24: {  	[spmem:s3] =	stream.indirect.scatter.add.f32 [tilespmem:s15], [sflag:$0x3], $0x10, s29, s14, $0xb8;
	[tilespmem:$0x8020] =	vst v63  }
0x25: {  	_ =	swait.ge [sflag:s12], $0x500  }
0x26: {  	[sflag:s12] =	ssyncset.done $0x0  }
0x27: {  	s30 =	simm.s32 $0xA0;
	[sflag:s12] =	ssyncadd.s32 $0xFFFFFB00  }
0x28: {  	[tilespmem:s15], [sflag:$0x1] =	stream.indirect.gather [hbm4b:s1+s14], $0x10, s30, s14, $0xb8;
	[tilespmem:$0x8020] =	vst v63  }
0x29: {  	_ =	swait.ge [sflag:s18], $0x500  }
0x2a: {  	[sflag:s18] =	ssyncset.done $0x0  }
0x2b: {  	s31 =	simm.s32 $0x2760;
	[sflag:s18] =	ssyncadd.s32 $0xFFFFFB00  }
0x2c: {  	[spmem:s3] =	stream.indirect.scatter.add.f32 [tilespmem:s16], [sflag:$0x3], $0x10, s31, s14, $0xb8;
	[tilespmem:$0x8020] =	vst v63  }
0x2d: {  	_ =	swait.ge [sflag:s12], $0x500  }
0x2e: {  	s22 =	simm.s32 $0x500;
	s21 =	simm.s32 $0xA0;
	[sflag:s12] =	ssyncset.done $0x0  }
.LBB2_2:
0x2f: {  	s23 =	sadd.s32 $0x50, s21  }
0x30: {  	[sflag:s12] =	ssyncadd.s32 $0xFFFFFB00;
	s24 =	smov.u32 s22;
	s25 =	sadd.s32 $0x280, s22  }
0x31: {  	[tilespmem:s16], [sflag:$0x2] =	stream.indirect.gather [hbm4b:s1+s14], $0x10, s23, s14, $0xb8;
	[tilespmem:$0x8020] =	vst v63  }
0x32: {  	p0 =	sne.s32 s22, $0x9880;
	_ =	swait.ge [sflag:s17], $0x500  }
0x33: {  	[sflag:s17] =	ssyncset.done $0x0  }
0x34: {  	s22 =	sadd.s32 $0x2710, s21;
	[sflag:s17] =	ssyncadd.s32 $0xFFFFFB00  }
0x35: {  	[spmem:s3] =	stream.indirect.scatter.add.f32 [tilespmem:s15], [sflag:$0x3], $0x10, s22, s14, $0xb8;
	[tilespmem:$0x8020] =	vst v63  }
0x36: {  	_ =	swait.ge [sflag:s12], $0x500  }
0x37: {  	[sflag:s12] =	ssyncset.done $0x0  }
0x38: {  	s22 =	sadd.s32 $0xA0, s21;
	[sflag:s12] =	ssyncadd.s32 $0xFFFFFB00  }
0x39: {  	[tilespmem:s15], [sflag:$0x1] =	stream.indirect.gather [hbm4b:s1+s14], $0x10, s22, s14, $0xb8;
	[tilespmem:$0x8020] =	vst v63  }
0x3a: {  	_ =	swait.ge [sflag:s18], $0x500  }
.Ltmp0:
0x3b: {  	[sflag:s18] =	ssyncset.done $0x0;
	(pc) =	sbr.rel @p0 .LBB2_2-.Ltmp0, $4  }
0x3c: {  	s21 =	sadd.s32 $0x2760, s21;
	[sflag:s18] =	ssyncadd.s32 $0xFFFFFB00  }
0x3d: {  	[spmem:s3] =	stream.indirect.scatter.add.f32 [tilespmem:s16], [sflag:$0x3], $0x10, s21, s14, $0xb8;
	[tilespmem:$0x8020] =	vst v63  }
0x3e: {  	_ =	swait.ge [sflag:s12], $0x500  }
0x3f: {  	s22 =	smov.u32 s25;
	s21 =	sshra.s32 s24, $0x2;
	[sflag:s12] =	ssyncset.done $0x0  }
0x40: {  	s22 =	sadd.s32 $0x50, s21;
	[sflag:s12] =	ssyncadd.s32 $0xFFFFFB00  }
0x41: {  	[tilespmem:s16], [sflag:$0x2] =	stream.indirect.gather [hbm4b:s1+s14], $0x10, s22, s14, $0xb8;
	[tilespmem:$0x8020] =	vst v63  }
0x42: {  	_ =	swait.ge [sflag:s17], $0x500  }
0x43: {  	[sflag:s17] =	ssyncset.done $0x0  }
0x44: {  	s29 =	sadd.s32 $0x2710, s21;
	[sflag:s17] =	ssyncadd.s32 $0xFFFFFB00  }
0x45: {  	[spmem:s3] =	stream.indirect.scatter.add.f32 [tilespmem:s15], [sflag:$0x3], $0x10, s29, s14, $0xb8;
	[tilespmem:$0x8020] =	vst v63  }
0x46: {  	_ =	swait.ge [sflag:s12], $0x500  }
0x47: {  	[sflag:s12] =	ssyncset.done $0x0  }
0x48: {  	s30 =	sadd.s32 $0xA0, s21;
	[sflag:s12] =	ssyncadd.s32 $0xFFFFFB00  }
0x49: {  	[tilespmem:s15], [sflag:$0x1] =	stream.indirect.gather [hbm4b:s1+s14], $0x10, s30, s14, $0xb8;
	[tilespmem:$0x8020] =	vst v63  }
0x4a: {  	_ =	swait.ge [sflag:s18], $0x500  }
0x4b: {  	[sflag:s18] =	ssyncset.done $0x0  }
0x4c: {  	s31 =	sadd.s32 $0x2760, s21;
	[sflag:s18] =	ssyncadd.s32 $0xFFFFFB00  }
0x4d: {  	[spmem:s3] =	stream.indirect.scatter.add.f32 [tilespmem:s16], [sflag:$0x3], $0x10, s31, s14, $0xb8;
	[tilespmem:$0x8020] =	vst v63  }
0x4e: {  	_ =	swait.ge [sflag:s12], $0x500  }
0x4f: {  	[sflag:s12] =	ssyncset.done $0x0  }
0x50: {  	[sflag:s12] =	ssyncadd.s32 $0xFFFFFB00  }
0x51: {  	_ =	swait.ge [sflag:s17], $0x500  }
0x52: {  	[sflag:s17] =	ssyncset.done $0x0  }
0x53: {  	[sflag:s17] =	ssyncadd.s32 $0xFFFFFB00  }
0x54: {  	[spmem:s3] =	stream.indirect.scatter.add.f32 [tilespmem:s15], [sflag:$0x3], $0x10, s19, s14, $0xb8;
	[tilespmem:$0x8020] =	vst v63  }
0x55: {  	_ =	swait.ge [sflag:s12], $0x500  }
0x56: {  	s20 =	sadd.s32 $0x1, s20;
	[sflag:s12] =	ssyncset.done $0x0  }
0x57: {  	p0 =	sne.s32 s20, s10;
	[sflag:s12] =	ssyncadd.s32 $0xFFFFFB00  }
.Ltmp1:
0x58: {  	[bflag:$0x0] =	sbarrier.arrive $0xFFFF;
	(pc) =	sbr.rel @p0 .LBB2_1-.Ltmp1, $4  }
0x59: {  	[hbm:s9], [sflag:s6] =	dma.local [spmem:s11], $0x500  }
0x5a: {  	_ =	swait.ge [sflag:s12], $0x500  }
0x5b: {  	[sflag:s12] =	ssyncset.done $0x0  }
0x5c: {  	[sflag:s12] =	ssyncadd.s32 $0xFFFFFB00  }
0x5d: {  	_ =	sfence.sel $0x180000  }
0x5e: {  	[bflag:$0x0] =	sbarrier.arrive $0xFFFF  }
0x5f: {  	p0 =	sne.s32 s0, $0x0;
	_ =	strace $0x9000004D  }
0x60: {  	s0 =	sadd.s32 @!p0 $0x100000, s2;
	[bflag:$0x2] =	sbarrier.arrive $0xFFFF  }
0x61: {  	[sflag:s0] =	ssyncadd.tile.s32 @!p0 $0x1;
	_ =	shalt  }
.Lfunc_end2:
_tile_overlayer_lowered:
.L_overlay_start_2:
0x62: {  	(tag) =	ssettag $0x2  }
0x63: {  	s0 =	rddreg [dreg:$0x0];
	s2 =	stileid.u32  }
0x64: {  	s1 =	rddreg [dreg:$0x1];
	p0 =	sne.s32 s2, $0x0  }
0x65: {  	s3 =	rddreg [dreg:$0x2];
	[bflag:$0x3] =	sbarrier.arrive $0xFFFF;
	s2 =	simm.s32 @!p0 $0x1C03  }
0x66: {  	[timem:s3], [sflag:s2] =	dma.local @!p0 [hbm:s0], s1  }
0x67: {  	s0 =	simm.s32 @!p0 $0x3  }
0x68: {  	_ =	swait.ge @!p0 [sflag:s0], s1  }
0x69: {  	s1 =	ssub.s32 @!p0 $0x0, s1;
	[sflag:s0] =	ssyncset.done @!p0 $0x0  }
0x6a: {  	[sflag:s0] =	ssyncadd.s32 @!p0 s1  }
0x6b: {  	[bflag:$0x3] =	sbarrier.arrive $0xFFFF  }
0x6c: {  	_ =	shalt  }

// kernel: kernel.8.cloned.1.call-start
scs
__scs_entry_jumppad:
0x0: {  	(pc) =	sbr.rel $0x88, $3  }
0x1: {  	(tag) =	ssettag $0x0;
	lr =	simm.s32 $0x1  }
0x2: {  	[smem:$0x3F9B] =	sst lr;
	_ =	strace $0xD0000000  }
0x3: {  	_ = 	snop  }
0x4: {  	_ = 	snop  }
0x5: {  	_ = 	snop  }
0x6: {  	_ = 	snop  }
0x7: {  	_ = 	snop  }
__scs_overlays_trampoline_lowered:
0x8: {  	[smem:$0x3FAA] =	sst s0  }
0x9: {  	[smem:$0x3FAB] =	sst s1  }
0xa: {  	[smem:$0x3FAC] =	sst s2  }
0xb: {  	[smem:$0x3FAD] =	sst s3  }
0xc: {  	[smem:$0x3FAE] =	sst s4  }
0xd: {  	[smem:$0x3FAF] =	sst s5  }
0xe: {  	[smem:$0x3FB0] =	sst s6  }
0xf: {  	[smem:$0x3FB1] =	sst s7  }
0x10: {  	[smem:$0x3FB2] =	sst s8  }
0x11: {  	[smem:$0x3FB3] =	sst s9;
	s0 =	simm.s32 @!p0 $0x0  }
0x12: {  	s1 =	sld [smem:$0x3F99];
	s0 =	simm.s32 @p0 $0x1  }
0x13: {  	[smem:$0x3FB4] =	sst s0;
	s0 =	simm.s32 @!p1 $0x0  }
0x14: {  	s2 =	sld [smem:$0x3F98];
	s0 =	simm.s32 @p1 $0x1  }
0x15: {  	[smem:$0x3FB5] =	sst s0;
	s0 =	simm.s32 @!p2 $0x0  }
0x16: {  	s3 =	sld [smem:$0x3FDB];
	s0 =	simm.s32 @p2 $0x1  }
0x17: {  	s4 =	simm.s32 $0x1BF5;
	[smem:$0x3FB7] =	sst s0  }
0x18: {  	s0 =	sld [smem:$0x3F9A];
	_ =	swait.ge [sflag:s4], $0x0  }
0x19: {  	s7 =	sld [smem:$0x3F9B]  }
0x1a: {  	s8 =	sadd.s32 $0xFFFFE003, lr  }
0x1b: {  	s9 =	sadd.s32 $0xFFFFFEF7, lr;
	s5 =	simm.s32 $0xFFFFFFFF;
	p2 =	slt.u32 s8, $0xFFFFF086  }
0x1c: {  	p1 =	slt.u32 s9, $0xF7A;
	s5 =	simm.s32 @!p2 $0x0  }
0x1d: {  	s5 =	simm.s32 @p1 $0x1;
	p0 =	seq.s32 s7, s2  }
0x1e: {  	s7 =	smul.u32 @!p0 $0xF7A, s2;
	p2 =	seq.s32 @!p0 s5, $0x0  }
0x1f: {  	s9 =	smul.u32 $0xF7A, s1;
	s8 =	simm.s32 @!p0 $0x1BF5;
	p2 =	por !p2, p0  }
0x20: {  	[sflag:s8] =	ssyncset.s32 @!p0 $0xFFFFF086;
	s6 =	sadd.s32 @!p0 s3, s7;
	s7 =	simm.s32 @!p0 $0x108  }
0x21: {  	s3 =	sadd.s32 s3, s9;
	s6 =	sadd.s32 @!p0 $0x88, s6;
	s7 =	simm.s32 @p2 $0x1082  }
0x22: {  	[simem:s7], [sflag:s8] =	dma.local @!p0 [hbm:s6], $0xF7A  }
0x23: {  	s9 =	sor.u32 $0xD0000000, s2;
	s6 =	simm.s32 $0x108;
	_ =	swait.ge @!p0 [sflag:s8], $0x0  }
0x24: {  	s3 =	sadd.s32 $0x88, s3;
	s6 =	simm.s32 @!p1 $0x1082;
	[sflag:s4] =	ssyncset.s32 $0xFFFFF086  }
0x25: {  	[simem:s6], [sflag:s4] =	dma.local [hbm:s3], $0xF7A  }
0x26: {  	[smem:$0x3F9B] =	sst s1;
	(tag) =	ssettag s2;
	_ =	strace s9  }
0x27: {  	s1 =	sld [smem:$0x3FAB]  }
0x28: {  	s2 =	sld [smem:$0x3FAC]  }
0x29: {  	s4 =	sld [smem:$0x3FAE]  }
0x2a: {  	p0 =	seq.s32 s5, $0x0;
	s5 =	sld [smem:$0x3FAF]  }
0x2b: {  	s6 =	sld [smem:$0x3FB0]  }
0x2c: {  	s7 =	sld [smem:$0x3FB1]  }
0x2d: {  	s3 =	simm.s32 $0x108;
	s8 =	sld [smem:$0x3FB2]  }
0x2e: {  	s3 =	simm.s32 @!p0 $0x1082;
	s9 =	sld [smem:$0x3FB3]  }
0x2f: {  	lr =	sadd.s32 s0, s3;
	s0 =	sld [smem:$0x3FAA]  }
0x30: {  	s3 =	sld [smem:$0x3FAD]  }
0x31: {  	[smem:$0x3FB6] =	sst s10  }
0x32: {  	s10 =	sld [smem:$0x3FB4];
	_ =	sdelay $0x3  }
0x33: {  	p0 =	seq.s32 s10, $0x1;
	s10 =	sld [smem:$0x3FB6];
	_ =	sdelay $0x3  }
0x34: {  	[smem:$0x3FB6] =	sst s10  }
0x35: {  	s10 =	sld [smem:$0x3FB5];
	_ =	sdelay $0x3  }
0x36: {  	p1 =	seq.s32 s10, $0x1;
	s10 =	sld [smem:$0x3FB6];
	_ =	sdelay $0x3  }
0x37: {  	[smem:$0x3FB6] =	sst s10  }
0x38: {  	s10 =	sld [smem:$0x3FB7]  }
0x39: {  	_ = 	snop;
	(pc) =	sbr.ind lr, $3  }
0x3a: {  	_ = 	snop  }
0x3b: {  	_ = 	snop  }
0x3c: {  	p2 =	seq.s32 s10, $0x1;
	s10 =	sld [smem:$0x3FB6]  }
0x3d: {  	_ =	shalt  }
0x3e: {  	_ =	shalt  }
0x3f: {  	_ =	shalt  }
0x40: {  	_ =	shalt  }
0x41: {  	_ =	shalt  }
0x42: {  	_ =	shalt  }
0x43: {  	_ =	shalt  }
0x44: {  	_ =	shalt  }
0x45: {  	_ =	shalt  }
0x46: {  	_ =	shalt  }
0x47: {  	_ =	shalt  }
0x48: {  	_ =	shalt  }
0x49: {  	_ =	shalt  }
0x4a: {  	_ =	shalt  }
0x4b: {  	_ =	shalt  }
0x4c: {  	_ =	shalt  }
0x4d: {  	_ =	shalt  }
0x4e: {  	_ =	shalt  }
0x4f: {  	_ =	shalt  }
0x50: {  	_ =	shalt  }
0x51: {  	_ =	shalt  }
0x52: {  	_ =	shalt  }
0x53: {  	_ =	shalt  }
0x54: {  	_ =	shalt  }
0x55: {  	_ =	shalt  }
0x56: {  	_ =	shalt  }
0x57: {  	_ =	shalt  }
0x58: {  	_ =	shalt  }
0x59: {  	_ =	shalt  }
0x5a: {  	_ =	shalt  }
0x5b: {  	_ =	shalt  }
0x5c: {  	_ =	shalt  }
0x5d: {  	_ =	shalt  }
0x5e: {  	_ =	shalt  }
0x5f: {  	_ =	shalt  }
0x60: {  	_ =	shalt  }
0x61: {  	_ =	shalt  }
0x62: {  	_ =	shalt  }
0x63: {  	_ =	shalt  }
0x64: {  	_ =	shalt  }
0x65: {  	_ =	shalt  }
0x66: {  	_ =	shalt  }
0x67: {  	_ =	shalt  }
0x68: {  	_ =	shalt  }
0x69: {  	_ =	shalt  }
0x6a: {  	_ =	shalt  }
0x6b: {  	_ =	shalt  }
0x6c: {  	_ =	shalt  }
0x6d: {  	_ =	shalt  }
0x6e: {  	_ =	shalt  }
0x6f: {  	_ =	shalt  }
0x70: {  	_ =	shalt  }
0x71: {  	_ =	shalt  }
0x72: {  	_ =	shalt  }
0x73: {  	_ =	shalt  }
0x74: {  	_ =	shalt  }
0x75: {  	_ =	shalt  }
0x76: {  	_ =	shalt  }
0x77: {  	_ =	shalt  }
0x78: {  	_ =	shalt  }
0x79: {  	_ =	shalt  }
0x7a: {  	_ =	shalt  }
0x7b: {  	_ =	shalt  }
0x7c: {  	_ =	shalt  }
0x7d: {  	_ =	shalt  }
0x7e: {  	_ =	shalt  }
0x7f: {  	_ =	shalt  }
0x80: {  	_ =	shalt  }
0x81: {  	_ =	shalt  }
0x82: {  	_ =	shalt  }
0x83: {  	_ =	shalt  }
0x84: {  	_ =	shalt  }
0x85: {  	_ =	shalt  }
0x86: {  	_ =	shalt  }
0x87: {  	_ =	shalt  }
.Lfunc_end0:
.L_simem_size_0:
called_computation_lowered:
.L_overlay_start_0:
0x88: {  	s2 =	sld [smem:$0x3FD9]  }
0x89: {  	s3 =	sld [smem:$0x3FFE];
	_ =	sdelay $0x1  }
0x8a: {  	s1 =	srdreg.scid  }
0x8b: {  	s0 =	sand.u32 $0x1, s1  }
0x8c: {  	s17 =	sshll.u32 s0, $0xA;
	s2 =	sadd.s32 s3, s2  }
0x8d: {  	s2 =	sadd.s32 s2, s17  }
0x8e: {  	[smem:$0x3FC2] =	sst s2  }
0x8f: {  	_ = 	snop  }
0x90: {  	s2 =	sld [smem:$0x3FD0];
	(tm) =	ssettm $0x1  }
0x91: {  	s18 =	sld [smem:$0x3FFB];
	_ =	sdelay $0x3  }
0x92: {  	_ =	strace s18  }
0x93: {  	s3 =	sld [smem:$0x3FFC];
	_ =	sdelay $0x3  }
0x94: {  	_ =	strace s3  }
0x95: {  	s3 =	sld [smem:$0x3FFD];
	_ =	sdelay $0x3  }
0x96: {  	_ =	strace s3  }
0x97: {  	_ =	strace $0x8FFFFFFF  }
0x98: {  	s19 =	sld [smem:$0x3FDB];
	_ =	sdelay $0x1  }
0x99: {  	s4 =	simm.s32 $_scs_section_size  }
0x9a: {  	s5 =	simm.s32 $_size__tile_overlayer_lowered;
	s6 =	simm.s32 $_tile_overlayer_lowered  }
0x9b: {  	s22 =	simm.s32 $0x1BFF;
	s21 =	sshll.u32 s6, $0x1;
	s3 =	sadd.s32 s4, s19  }
0x9c: {  	s7 =	simm.s32 $0x0;
	s20 =	sshll.u32 s5, $0x1;
	s5 =	sadd.s32 s21, s3  }
0x9d: {  	[timem:s7], [sflag:s22] =	dma.local [hbm:s5], s20  }
0x9e: {  	_ =	swait.ge [sflag:s22], s20  }
0x9f: {  	s4 =	ssub.s32 $0x0, s20;
	[sflag:s22] =	ssyncset.done $0x0  }
0xa0: {  	[sflag:s22] =	ssyncadd.s32 s4;
	_ =	sdelay $0x1  }
0xa1: {  	s23 =	simm.s32 $0x1B8B  }
0xa2: {  	_ =	swait.ge [sflag:s23], $0x1  }
0xa3: {  	[sflag:s23] =	ssyncset.done $0x0  }
0xa4: {  	s25 =	simm.s32 $0x1B8E;
	s24 =	sld [smem:$0x3FFE];
	[sflag:s23] =	ssyncadd.s32 $0xFFFFFFFF  }
0xa5: {  	s26 =	simm.s32 $execute0_lowered;
	[smem:$0x3FD2] =	sst s25  }
0xa6: {  	s5 =	sshll.u32 s26, $0x1;
	_ =	strace $0x80000046;
	[dreg:$0x1] =	wrdreg $0xFFFFFFFF  }
0xa7: {  	s28 =	simm.s32 $_size_execute0_lowered;
	s3 =	sadd.s32 s3, s5;
	[dreg:$0x0] =	wrdreg $0x0  }
0xa8: {  	s5 =	sshll.u32 s28, $0x1;
	[dreg:$0x2] =	wrdreg s3  }
0xa9: {  	[dreg:$0x3] =	wrdreg s5  }
0xaa: {  	[dreg:$0x4] =	wrdreg $0xC0  }
0xab: {  	_ =	task [dreg:s7], $0x5FFFF  }
0xac: {  	[dreg:$0x1] =	wrdreg $0xFFFFFFFF  }
0xad: {  	[dreg:$0x0] =	wrdreg $0x60  }
0xae: {  	[dreg:$0x2] =	wrdreg s24  }
0xaf: {  	[dreg:$0x3] =	wrdreg s2  }
0xb0: {  	[dreg:$0x4] =	wrdreg $0x9  }
0xb1: {  	_ =	task.clear_ibuf [dreg:s7], $0x5FFFF;
	_ =	strace $0x90000046  }
0xb2: {  	s29 =	simm.s32 $0x9;
	_ =	strace $0x80000048  }
0xb3: {  	_ =	swait.ge [sflag:s29], $0x1  }
0xb4: {  	[sflag:s29] =	ssyncadd.s32 $0xFFFFFFFF  }
0xb5: {  	_ =	strace $0x90000048  }
0xb6: {  	_ =	sfence  }
0xb7: {  	s30 =	sld [smem:$0x0];
	_ =	sdelay $0x2  }
0xb8: {  	s31 =	sshll.u32 s1, $0xD;
	s1 =	sshrl.u32 s1, $0x2  }
0xb9: {  	s3 =	sand.u32 $0x4000, s31;
	s1 =	sadd.s32 s1, s30  }
0xba: {  	s0 =	sor.u32 s3, s0;
	s1 =	sshll.u32 s1, $0x11  }
0xbb: {  	s0 =	sor.u32 s1, s0  }
0xbc: {  	s0 =	sadd.s32 $0x8F2B, s0  }
0xbd: {  	[sflag:s0] =	ssyncadd.remote.s32 $0x1  }
0xbe: {  	_ =	sfence.sel $0xFFFF  }
0xbf: {  	[dreg:$0x0] =	wrdreg $0xFFFFFFFF;
	(pc) =	sbr.abs _section_cstart, $3  }
0xc0: {  	[dreg:$0x1] =	wrdreg $0xFFFFFFFF  }
0xc1: {  	_ =	task.clear_ibuf [dreg:s7], $0x2FFFF;
	_ =	strace $0x9FFFFFFF  }
0xc2: {  	(tm) =	ssettm $0x7FFFFFFF  }
0xc3: {  	_ =	shalt  }
tec
execute0_lowered:
.L_overlay_start_1:
0x0: {  	(tag) =	ssettag $0x1  }
0x1: {  	s1 =	srdreg.scid;
	s5 =	rddreg [dreg:$0x0]  }
0x2: {  	s0 =	stileid.u32;
	s2 =	rddreg [dreg:$0x1]  }
0x3: {  	s3 =	simm.s32 $0x0;
	s11 =	simm.s32 $0x2780;
	s4 =	sand.u32 $0x1, s1  }
0x4: {  	s12 =	simm.s32 $0x4F00;
	s6 =	sshrl.u32 s0, $0x3;
	s7 =	smul.u32 $0x27800, s4  }
0x5: {  	s13 =	simm.s32 $0x0;
	s1 =	rddreg [dreg:$0x2];
	s8 =	smul.u32 $0x13C00, s6  }
0x6: {  	s10 =	sshll.u32 s0, $0x7;
	[smem:$0x7FF] =	sst s3;
	s9 =	smul.u32 $0x4E800, s4  }
0x7: {  	s6 =	smul.u32 $0x27400, s6;
	s10 =	sand.u32 $0x380, s10;
	s4 =	ssub.s32 $0x2, s4  }
0x8: {  	_ =	strace $0x80000047;
	s31 =	sshrl.u32 s4, $0x1;
	s7 =	sadd.s32 s7, s8  }
0x9: {  	s6 =	sadd.s32 s9, s6;
	s8 =	ssub.s32 s4, s31;
	s7 =	sor.u32 s10, s7  }
0xa: {  	s9 =	simm.s32 $0x400;
	s6 =	sor.u32 s10, s6;
	s7 =	sshrl.u32 s7, $0x3  }
0xb: {  	s10 =	simm.s32 $0x1;
	s6 =	sshrl.u32 s6, $0x3;
	s7 =	sadd.s32 s7, s5  }
0xc: {  	s6 =	sadd.s32 s6, s5;
	s4 =	sadd.s32 $0x15A00, s7;
	s5 =	sadd.s32 $0x1F800, s7  }
0xd: {  	v0 =	vimm.s32 $0x1;
	s6 =	sadd.s32 $0x29600, s6;
	s7 =	smax.u32 s8, $0x1;
	s8 =	simm.s32 $0x80  }
.LBB2_1:
0xe: {  	[tilespmem:s3], [sflag:$0x1] =	stream.strided.gather [hbm4b:s4+s8], $0x2780, s9, s8, $0x38;
	[tilespmem:$0x9D80] =	vst v63  }
0xf: {  	_ =	swait.ge [sflag:s10], $0x2780  }
0x10: {  	[sflag:s10] =	ssyncset.done $0x0  }
0x11: {  	[sflag:s10] =	ssyncadd.s32 $0xFFFFD880  }
0x12: {  	[tilespmem:s11], [sflag:$0x1] =	stream.strided.gather [hbm4b:s5+s8], $0x2780, s9, s8, $0x38;
	[tilespmem:$0x9D80] =	vst v63  }
0x13: {  	_ =	swait.ge [sflag:s10], $0x2780  }
0x14: {  	[sflag:s10] =	ssyncset.done $0x0  }
0x15: {  	[sflag:s10] =	ssyncadd.s32 $0xFFFFD880  }
0x16: {  	[tilespmem:s12], [sflag:$0x1] =	stream.linear.gather [hbm4b:s2+s3], $0x4E80, $0x38;
	[tilespmem:$0x9D80] =	vst v63  }
0x17: {  	_ =	swait.ge [sflag:s10], $0x4E80  }
0x18: {  	[sflag:s10] =	ssyncset.done $0x0  }
0x19: {  	s14 =	simm.s32 $0x0;
	[sflag:s10] =	ssyncadd.s32 $0xFFFFB180  }
.LBB2_2:
0x1a: {  	s15 =	sshra.s32 s14, $0x2  }
0x1b: {  	v1 =	vld [tilespmem:s15+$0x0];
	_ =	sdelay $0x4  }
0x1c: {  	v1 =	vshll.u32 v1, $0x1;
	_ =	sdelay $0x4  }
0x1d: {  	[tilespmem:v1+s12+$0x0] =	vst.idx.add.s32.msk $0xffff, v0  }
0x1e: {  	v1 =	vld [tilespmem:s15+$0x2780];
	_ =	sdelay $0x4  }
0x1f: {  	v1 =	vshll.u32 v1, $0x1  }
0x20: {  	p0 =	sne.s32 s14, $0x9C00;
	v1 =	vor.u32 $0x1, v1  }
.Ltmp0:
0x21: {  	_ = 	snop;
	(pc) =	sbr.rel @p0 .LBB2_2-.Ltmp0, $2  }
0x22: {  	_ =	sdelay $0x2  }
0x23: {  	s14 =	sadd.s32 $0x40, s14;
	[tilespmem:v1+s12+$0x0] =	vst.idx.add.s32.msk $0xffff, v0  }
0x24: {  	s13 =	sadd.s32 $0x1, s13  }
0x25: {  	p0 =	sne.s32 s13, s7  }
.Ltmp1:
0x26: {  	_ = 	snop;
	(pc) =	sbr.rel @p0 .LBB2_1-.Ltmp1, $4  }
0x27: {  	[hbm4b:s6+s8] =	stream.strided.scatter [tilespmem:s12], [sflag:$0x1], $0x4E80, s9, s8, $0x38;
	[tilespmem:$0x9D80] =	vst v63  }
0x28: {  	_ =	swait.ge [sflag:s10], $0x4E80  }
0x29: {  	[sflag:s10] =	ssyncset.done $0x0  }
0x2a: {  	[sflag:s10] =	ssyncadd.s32 $0xFFFFB180  }
0x2b: {  	_ =	sfence.sel $0x180000  }
0x2c: {  	[bflag:$0x0] =	sbarrier.arrive $0xFFFF  }
0x2d: {  	p0 =	sne.s32 s0, $0x0;
	_ =	strace $0x90000047  }
0x2e: {  	s0 =	sadd.s32 @!p0 $0x100000, s1;
	[bflag:$0x2] =	sbarrier.arrive $0xFFFF  }
0x2f: {  	[sflag:s0] =	ssyncadd.tile.s32 @!p0 $0x1;
	_ =	shalt  }
.Lfunc_end2:
_tile_overlayer_lowered:
.L_overlay_start_2:
0x30: {  	(tag) =	ssettag $0x2  }
0x31: {  	s0 =	rddreg [dreg:$0x0];
	s2 =	stileid.u32  }
0x32: {  	s1 =	rddreg [dreg:$0x1];
	p0 =	sne.s32 s2, $0x0  }
0x33: {  	s3 =	rddreg [dreg:$0x2];
	[bflag:$0x3] =	sbarrier.arrive $0xFFFF;
	s2 =	simm.s32 @!p0 $0x1C01  }
0x34: {  	[timem:s3], [sflag:s2] =	dma.local @!p0 [hbm:s0], s1  }
0x35: {  	s0 =	simm.s32 @!p0 $0x1  }
0x36: {  	_ =	swait.ge @!p0 [sflag:s0], s1  }
0x37: {  	s1 =	ssub.s32 @!p0 $0x0, s1;
	[sflag:s0] =	ssyncset.done @!p0 $0x0  }
0x38: {  	[sflag:s0] =	ssyncadd.s32 @!p0 s1  }
0x39: {  	[bflag:$0x3] =	sbarrier.arrive $0xFFFF  }
0x3a: {  	_ =	shalt  }

</sc_bundles>
